<compile_context>
chip_gen: v7x
topology: tpu7x:2x2x1
jax: 0.10.2.dev20260603
libtpu: 0.0.44.dev20260713+nightly
codegen_flags: <defaults>
</compile_context>

<pallas_src>
import jax
import jax.numpy as jnp
from jax import lax
from jax.experimental import pallas as pl
from jax.experimental.pallas import tpu as pltpu
from jax.experimental.pallas import tpu_sc as plsc

N = 10000
E = 320000
D = 128
HID = 2 * D
NT = 30
NET = 5

NC = 2
NS = 16
NW = NC * NS
EPW = E // NW
CHUNK = 125
NCHUNK = EPW // CHUNK
NP = 10240
RPT = NP // NS
CW = 5

_PREC = lax.Precision.DEFAULT



def _sc_body_agg(h_hbm, src_hbm, dst_hbm, znd_hbm,
                 parts_hbm,
                 src_v, dst_v, rows_a, acc_sh, sem):
    c = lax.axis_index("c")
    s = lax.axis_index("s")
    wid = s * NC + c
    r0 = s * RPT
    pltpu.sync_copy(znd_hbm.at[pl.ds(r0, RPT)], acc_sh.at[pl.ds(r0, RPT)])
    pltpu.sync_copy(src_hbm.at[wid], src_v)
    pltpu.sync_copy(dst_hbm.at[wid], dst_v)
    plsc.subcore_barrier()

    def step(j, carry):
        pltpu.async_copy(h_hbm.at[src_v.at[j]], rows_a, sem).wait()
        pltpu.sync_copy(rows_a, acc_sh.at[dst_v.at[j]], add=True)
        return carry

    lax.fori_loop(0, NCHUNK, step, 0)

    plsc.subcore_barrier()
    pltpu.sync_copy(acc_sh.at[pl.ds(r0, RPT)], parts_hbm.at[c].at[pl.ds(r0, RPT)])


def _sc_body_cnt(fidx_hbm, ones_hbm, zflat_hbm,
                 cflat_hbm,
                 fidx_v, ones_v, cnt_sh, sem):
    c = lax.axis_index("c")
    s = lax.axis_index("s")
    wid = s * NC + c
    f0 = s * RPT * CW
    pltpu.sync_copy(zflat_hbm.at[pl.ds(f0, RPT * CW)], cnt_sh.at[pl.ds(f0, RPT * CW)])
    pltpu.sync_copy(fidx_hbm.at[wid], fidx_v)
    pltpu.sync_copy(ones_hbm, ones_v)
    plsc.subcore_barrier()

    def step(j, carry):
        pltpu.sync_copy(ones_v, cnt_sh.at[fidx_v.at[j]], add=True)
        return carry

    lax.fori_loop(0, NCHUNK, step, 0)
    plsc.subcore_barrier()
    pltpu.sync_copy(cnt_sh.at[pl.ds(f0, RPT * CW)], cflat_hbm.at[c].at[pl.ds(f0, RPT * CW)])


_SC_MESH = plsc.VectorSubcoreMesh(core_axis_name="c", subcore_axis_name="s",
                                  num_cores=NC, num_subcores=NS)

_sc_agg = pl.kernel(
    _sc_body_agg,
    out_type=jax.ShapeDtypeStruct((NC, NP, D), jnp.float32),
    mesh=_SC_MESH,
    scratch_types=(
        pltpu.VMEM((NCHUNK, CHUNK), jnp.int32),
        pltpu.VMEM((NCHUNK, CHUNK), jnp.int32),
        pltpu.VMEM((CHUNK, D), jnp.float32),
        pltpu.VMEM_SHARED((NP, D), jnp.float32),
        pltpu.SemaphoreType.DMA,
    ),
    name="sc_edge_agg",
)

_sc_cnt = pl.kernel(
    _sc_body_cnt,
    out_type=jax.ShapeDtypeStruct((NC, NP * CW), jnp.float32),
    mesh=_SC_MESH,
    scratch_types=(
        pltpu.VMEM((NCHUNK, CHUNK), jnp.int32),
        pltpu.VMEM((CHUNK,), jnp.float32),
        pltpu.VMEM_SHARED((NP * CW,), jnp.float32),
        pltpu.SemaphoreType.DMA,
    ),
    name="sc_edge_cnt",
)



BN = 1000


def _embed_body(oh_ref, xf_ref, emb_ref, W_ref, b_ref, out_ref):
    out_ref[...] = (
        jnp.dot(oh_ref[...], emb_ref[...], preferred_element_type=jnp.float32,
                precision=_PREC)
        + jnp.dot(xf_ref[...], W_ref[...], preferred_element_type=jnp.float32,
                  precision=_PREC)
        + b_ref[...]
    )


_embed = pl.pallas_call(
    _embed_body,
    grid=(N // BN,),
    in_specs=[
        pl.BlockSpec((BN, 32), lambda i: (i, 0)),
        pl.BlockSpec((BN, D), lambda i: (i, 0)),
        pl.BlockSpec((32, D), lambda i: (0, 0)),
        pl.BlockSpec((D, D), lambda i: (0, 0)),
        pl.BlockSpec((1, D), lambda i: (0, 0)),
    ],
    out_specs=pl.BlockSpec((BN, D), lambda i: (i, 0)),
    out_shape=jax.ShapeDtypeStruct((N, D), jnp.float32),
)


def _mlp_body(relu_out, p0_ref, p1_ref, h_ref, c0_ref, c1_ref, ee_ref,
              W1_ref, b1_ref, W2_ref, b2_ref, out_ref):
    agg = (p0_ref[0] + p1_ref[0] + h_ref[...]
           + jnp.dot(c0_ref[0] + c1_ref[0], ee_ref[...],
                     preferred_element_type=jnp.float32, precision=_PREC))
    hid = jnp.maximum(
        jnp.dot(agg, W1_ref[...], preferred_element_type=jnp.float32,
                precision=_PREC) + b1_ref[...], 0.0)
    o = jnp.dot(hid, W2_ref[...], preferred_element_type=jnp.float32,
                precision=_PREC) + b2_ref[...]
    out_ref[...] = jnp.maximum(o, 0.0) if relu_out else o


def _make_mlp(relu_out):
    return pl.pallas_call(
        lambda *refs: _mlp_body(relu_out, *refs),
        grid=(N // BN,),
        in_specs=[
            pl.BlockSpec((1, BN, D), lambda i: (0, i, 0)),
            pl.BlockSpec((1, BN, D), lambda i: (1, i, 0)),
            pl.BlockSpec((BN, D), lambda i: (i, 0)),
            pl.BlockSpec((1, BN, CW), lambda i: (0, i, 0)),
            pl.BlockSpec((1, BN, CW), lambda i: (1, i, 0)),
            pl.BlockSpec((CW, D), lambda i: (0, 0)),
            pl.BlockSpec((D, HID), lambda i: (0, 0)),
            pl.BlockSpec((1, HID), lambda i: (0, 0)),
            pl.BlockSpec((HID, D), lambda i: (0, 0)),
            pl.BlockSpec((1, D), lambda i: (0, 0)),
        ],
        out_specs=pl.BlockSpec((BN, D), lambda i: (i, 0)),
        out_shape=jax.ShapeDtypeStruct((N, D), jnp.float32),
    )


_mlp_relu = _make_mlp(True)
_mlp_last = _make_mlp(False)



def kernel(x, edge_index, edge_attr, node_type_emb, feat_W, feat_b,
           edge_emb0, W1_0, b1_0, W2_0, b2_0,
           edge_emb1, W1_1, b1_1, W2_1, b2_1):
    ntype = jnp.clip(jnp.round(x[:, 0]), 0, NT - 1).astype(jnp.int32)
    oh_nt = (ntype[:, None] == jnp.arange(32, dtype=jnp.int32)[None, :]
             ).astype(jnp.float32)
    xf = x[:, 1:]
    emb32 = jnp.zeros((32, D), jnp.float32).at[:NT].set(node_type_emb)
    etype = jnp.clip(jnp.round(edge_attr[:, 0]), 0, NET - 1).astype(jnp.int32)
    src = edge_index[0].reshape(NW, NCHUNK, CHUNK)
    dst = edge_index[1].reshape(NW, NCHUNK, CHUNK)
    fidx = (edge_index[1] * CW + etype).reshape(NW, NCHUNK, CHUNK)
    ones_e = jnp.ones((CHUNK,), jnp.float32)
    znd = jnp.zeros((NP, D), jnp.float32)
    zflat = jnp.zeros((NP * CW,), jnp.float32)
    ee0 = jnp.zeros((CW, D), jnp.float32).at[:NET].set(edge_emb0)
    ee1 = jnp.zeros((CW, D), jnp.float32).at[:NET].set(edge_emb1)

    h0 = _embed(oh_nt, xf, emb32, feat_W, feat_b.reshape(1, D))
    cparts = _sc_cnt(fidx, ones_e, zflat).reshape(NC, NP, CW)
    parts0 = _sc_agg(h0, src, dst, znd)
    h1 = _mlp_relu(parts0, parts0, h0, cparts, cparts, ee0,
                   W1_0, b1_0.reshape(1, HID), W2_0, b2_0.reshape(1, D))
    parts1 = _sc_agg(h1, src, dst, znd)
    h2 = _mlp_last(parts1, parts1, h1, cparts, cparts, ee1,
                   W1_1, b1_1.reshape(1, HID), W2_1, b2_1.reshape(1, D))
    return h2

# --- scband reference (transcript-rebuilt; emitter-appended) ---
"""Pipeline reference for scband-encoder-80633716015382 (READ-ONLY COPY).

The authoritative reference and input builder live on the scoring server;
editing this copy changes nothing except your own understanding.
"""

import jax, jax.numpy as jnp
import numpy as np

N = 10000
E = 320000
D = 128
HID = 2 * D
NUM_NODE_TYPE = 30
NUM_EDGE_TYPE = 5
K = 2


def setup_inputs(seed: int = 0) -> dict:
    key = jax.random.key(seed)
    ks = jax.random.split(key, 16)
    x = jax.random.uniform(ks[0], (N, D + 1), dtype=jnp.float32)
    edge_index = jax.random.randint(ks[1], (2, E), 0, N, dtype=jnp.int32)
    edge_attr = jax.random.uniform(ks[2], (E, 4), dtype=jnp.float32)
    node_type_emb = 0.02 * jax.random.normal(ks[3], (NUM_NODE_TYPE, D), dtype=jnp.float32)
    feat_W = jax.random.normal(ks[4], (D, D), dtype=jnp.float32) / np.sqrt(D)
    feat_b = jnp.zeros((D,), dtype=jnp.float32)
    edge_emb0 = 0.02 * jax.random.normal(ks[5], (NUM_EDGE_TYPE, D), dtype=jnp.float32)
    W1_0 = jax.random.normal(ks[6], (D, HID), dtype=jnp.float32) / np.sqrt(D)
    b1_0 = jnp.zeros((HID,), dtype=jnp.float32)
    W2_0 = jax.random.normal(ks[7], (HID, D), dtype=jnp.float32) / np.sqrt(HID)
    b2_0 = jnp.zeros((D,), dtype=jnp.float32)
    edge_emb1 = 0.02 * jax.random.normal(ks[8], (NUM_EDGE_TYPE, D), dtype=jnp.float32)
    W1_1 = jax.random.normal(ks[9], (D, HID), dtype=jnp.float32) / np.sqrt(D)
    b1_1 = jnp.zeros((HID,), dtype=jnp.float32)
    W2_1 = jax.random.normal(ks[10], (HID, D), dtype=jnp.float32) / np.sqrt(HID)
    b2_1 = jnp.zeros((D,), dtype=jnp.float32)
    return {
        "x": x, "edge_index": edge_index, "edge_attr": edge_attr,
        "node_type_emb": node_type_emb, "feat_W": feat_W, "feat_b": feat_b,
        "edge_emb0": edge_emb0, "W1_0": W1_0, "b1_0": b1_0, "W2_0": W2_0, "b2_0": b2_0,
        "edge_emb1": edge_emb1, "W1_1": W1_1, "b1_1": b1_1, "W2_1": W2_1, "b2_1": b2_1,
    }


def reference(x, edge_index, edge_attr, node_type_emb, feat_W, feat_b,
              edge_emb0, W1_0, b1_0, W2_0, b2_0,
              edge_emb1, W1_1, b1_1, W2_1, b2_1):
    # Node input embedding: first column is node type id, rest are features.
    ntype = jnp.clip(jnp.round(x[:, 0]), 0, NUM_NODE_TYPE - 1).astype(jnp.int32)
    h = jnp.take(node_type_emb, ntype, axis=0) + x[:, 1:] @ feat_W + feat_b
    # Sanitized edge attr: first column is edge type id, clamped to [0, NUM_EDGE_TYPE-1].
    etype = jnp.clip(jnp.round(edge_attr[:, 0]), 0, NUM_EDGE_TYPE - 1).astype(jnp.int32)
    src = edge_index[0]
    dst = edge_index[1]
    layers = [
        (edge_emb0, W1_0, b1_0, W2_0, b2_0),
        (edge_emb1, W1_1, b1_1, W2_1, b2_1),
    ]
    for i, (ee, W1, b1, W2, b2) in enumerate(layers):
        msg = jnp.take(h, src, axis=0) + jnp.take(ee, etype, axis=0)
        agg = jax.ops.segment_sum(msg, dst, num_segments=N) + h  # GIN: (1+eps)*h + sum msgs, eps=0
        hidden = jax.nn.relu(agg @ W1 + b1)
        h_new = hidden @ W2 + b2
        h = jax.nn.relu(h_new) if i < len(layers) - 1 else h_new  # 'last' embedding output
    return h

if __name__ == "__main__":
    import jax
    _d = setup_inputs()
    print(jax.jit(kernel)(*tuple(_d.values())))

</pallas_src>

<mosaic_0001>
#map = affine_map<(d0, d1) -> (0, 0)>
#map1 = affine_map<(d0, d1) -> (0, 0, 0)>
module attributes {stable_mosaic.version = 14 : i64} {
  func.func @sc_edge_agg(%arg0: i32, %arg1: i32, %arg2: memref<10000x128xf32, #tpu.memory_space<hbm>>, %arg3: memref<32x80x125xi32, #tpu.memory_space<hbm>>, %arg4: memref<32x80x125xi32, #tpu.memory_space<hbm>>, %arg5: memref<10240x128xf32, #tpu.memory_space<hbm>>, %arg6: memref<2x10240x128xf32, #tpu.memory_space<hbm>>, %arg7: memref<80x125xi32, #tpu.memory_space<vmem>>, %arg8: memref<80x125xi32, #tpu.memory_space<vmem>>, %arg9: memref<125x128xf32, #tpu.memory_space<vmem>>, %arg10: memref<10240x128xf32, #tpu.memory_space<vmem_shared>>, %arg11: memref<!tpu.dma_semaphore, #tpu.memory_space<semaphore_mem>>) attributes {dimension_semantics = [#tpu.dimension_semantics<core_parallel>, #tpu.dimension_semantics<subcore_parallel>], iteration_bounds = array<i64: 2, 16>, scalar_prefetch = 0 : i64, scratch_operands = 5 : i64, tpu.core_type = #tpu.core_type<sc_vector_subcore>, window_params = [{transform_indices = #map}, {transform_indices = #map1}, {transform_indices = #map1}, {transform_indices = #map}, {transform_indices = #map1}]} {
    %mul3A = arith.constant 2 : i32
    %mul3A_0 = arith.muli %arg1, %mul3A : i32
    %add3A = arith.addi %mul3A_0, %arg0 : i32
    %mul3A_1 = arith.constant 640 : i32
    %mul3A_2 = arith.muli %arg1, %mul3A_1 : i32
    "tpu.region"() ({
      %run_scoped3A = tpu.sem_alloc : memref<!tpu.dma_semaphore, #tpu.memory_space<semaphore_mem>>
      %dma_start3A = arith.constant 0 : i32
      %dma_start3A_9 = tpu.memref_slice %arg10[%mul3A_2, %dma_start3A] : memref<10240x128xf32, #tpu.memory_space<vmem_shared>> -> memref<640x128xf32, #tpu.memory_space<vmem_shared>>
      %dma_start3A_10 = arith.constant 0 : i32
      %dma_start3A_11 = tpu.memref_slice %arg5[%mul3A_2, %dma_start3A_10] : memref<10240x128xf32, #tpu.memory_space<hbm>> -> memref<640x128xf32, #tpu.memory_space<hbm>>
      tpu.enqueue_dma source(%dma_start3A_11 : memref<640x128xf32, #tpu.memory_space<hbm>>) target(%dma_start3A_9 : memref<640x128xf32, #tpu.memory_space<vmem_shared>>) target_semaphore(%run_scoped3A : memref<!tpu.dma_semaphore, #tpu.memory_space<semaphore_mem>>)
      %dma_wait3A = arith.constant 0 : i32
      %dma_wait3A_12 = tpu.memref_slice %arg10[%mul3A_2, %dma_wait3A] : memref<10240x128xf32, #tpu.memory_space<vmem_shared>> -> memref<640x128xf32, #tpu.memory_space<vmem_shared>>
      %dma_wait3A_13 = arith.constant 0 : i32
      %dma_wait3A_14 = tpu.memref_slice %arg5[%mul3A_2, %dma_wait3A_13] : memref<10240x128xf32, #tpu.memory_space<hbm>> -> memref<640x128xf32, #tpu.memory_space<hbm>>
      tpu.wait_dma2 semaphore(%run_scoped3A : memref<!tpu.dma_semaphore, #tpu.memory_space<semaphore_mem>>) src(%dma_wait3A_14 : memref<640x128xf32, #tpu.memory_space<hbm>>) dst(%dma_wait3A_12 : memref<640x128xf32, #tpu.memory_space<vmem_shared>>)
      tpu.yield
    }) : () -> ()
    "tpu.region"() ({
      %run_scoped3A = tpu.sem_alloc : memref<!tpu.dma_semaphore, #tpu.memory_space<semaphore_mem>>
      %dma_start3A = arith.constant 0 : i32
      %dma_start3A_9 = arith.constant 0 : i32
      %dma_start3A_10 = tpu.memref_slice %arg3[%add3A, %dma_start3A, %dma_start3A_9] : memref<32x80x125xi32, #tpu.memory_space<hbm>> -> memref<1x80x125xi32, #tpu.memory_space<hbm>>
      %dma_start3A_11 = tpu.memref_squeeze %dma_start3A_10 : memref<1x80x125xi32, #tpu.memory_space<hbm>> -> memref<80x125xi32, #tpu.memory_space<hbm>>
      %dma_start3A_12 = arith.constant 0 : i32
      %dma_start3A_13 = arith.constant 0 : i32
      %dma_start3A_14 = tpu.memref_slice %arg3[%add3A, %dma_start3A_12, %dma_start3A_13] : memref<32x80x125xi32, #tpu.memory_space<hbm>> -> memref<1x80x125xi32, #tpu.memory_space<hbm>>
      %dma_start3A_15 = tpu.memref_squeeze %dma_start3A_14 : memref<1x80x125xi32, #tpu.memory_space<hbm>> -> memref<80x125xi32, #tpu.memory_space<hbm>>
      tpu.enqueue_dma source(%dma_start3A_15 : memref<80x125xi32, #tpu.memory_space<hbm>>) target(%arg7 : memref<80x125xi32, #tpu.memory_space<vmem>>) target_semaphore(%run_scoped3A : memref<!tpu.dma_semaphore, #tpu.memory_space<semaphore_mem>>)
      %dma_wait3A = arith.constant 0 : i32
      %dma_wait3A_16 = arith.constant 0 : i32
      %dma_wait3A_17 = tpu.memref_slice %arg3[%add3A, %dma_wait3A, %dma_wait3A_16] : memref<32x80x125xi32, #tpu.memory_space<hbm>> -> memref<1x80x125xi32, #tpu.memory_space<hbm>>
      %dma_wait3A_18 = tpu.memref_squeeze %dma_wait3A_17 : memref<1x80x125xi32, #tpu.memory_space<hbm>> -> memref<80x125xi32, #tpu.memory_space<hbm>>
      %dma_wait3A_19 = arith.constant 0 : i32
      %dma_wait3A_20 = arith.constant 0 : i32
      %dma_wait3A_21 = tpu.memref_slice %arg3[%add3A, %dma_wait3A_19, %dma_wait3A_20] : memref<32x80x125xi32, #tpu.memory_space<hbm>> -> memref<1x80x125xi32, #tpu.memory_space<hbm>>
      %dma_wait3A_22 = tpu.memref_squeeze %dma_wait3A_21 : memref<1x80x125xi32, #tpu.memory_space<hbm>> -> memref<80x125xi32, #tpu.memory_space<hbm>>
      tpu.wait_dma2 semaphore(%run_scoped3A : memref<!tpu.dma_semaphore, #tpu.memory_space<semaphore_mem>>) src(%dma_wait3A_22 : memref<80x125xi32, #tpu.memory_space<hbm>>) dst(%arg7 : memref<80x125xi32, #tpu.memory_space<vmem>>)
      tpu.yield
    }) : () -> ()
    "tpu.region"() ({
      %run_scoped3A = tpu.sem_alloc : memref<!tpu.dma_semaphore, #tpu.memory_space<semaphore_mem>>
      %dma_start3A = arith.constant 0 : i32
      %dma_start3A_9 = arith.constant 0 : i32
      %dma_start3A_10 = tpu.memref_slice %arg4[%add3A, %dma_start3A, %dma_start3A_9] : memref<32x80x125xi32, #tpu.memory_space<hbm>> -> memref<1x80x125xi32, #tpu.memory_space<hbm>>
      %dma_start3A_11 = tpu.memref_squeeze %dma_start3A_10 : memref<1x80x125xi32, #tpu.memory_space<hbm>> -> memref<80x125xi32, #tpu.memory_space<hbm>>
      %dma_start3A_12 = arith.constant 0 : i32
      %dma_start3A_13 = arith.constant 0 : i32
      %dma_start3A_14 = tpu.memref_slice %arg4[%add3A, %dma_start3A_12, %dma_start3A_13] : memref<32x80x125xi32, #tpu.memory_space<hbm>> -> memref<1x80x125xi32, #tpu.memory_space<hbm>>
      %dma_start3A_15 = tpu.memref_squeeze %dma_start3A_14 : memref<1x80x125xi32, #tpu.memory_space<hbm>> -> memref<80x125xi32, #tpu.memory_space<hbm>>
      tpu.enqueue_dma source(%dma_start3A_15 : memref<80x125xi32, #tpu.memory_space<hbm>>) target(%arg8 : memref<80x125xi32, #tpu.memory_space<vmem>>) target_semaphore(%run_scoped3A : memref<!tpu.dma_semaphore, #tpu.memory_space<semaphore_mem>>)
      %dma_wait3A = arith.constant 0 : i32
      %dma_wait3A_16 = arith.constant 0 : i32
      %dma_wait3A_17 = tpu.memref_slice %arg4[%add3A, %dma_wait3A, %dma_wait3A_16] : memref<32x80x125xi32, #tpu.memory_space<hbm>> -> memref<1x80x125xi32, #tpu.memory_space<hbm>>
      %dma_wait3A_18 = tpu.memref_squeeze %dma_wait3A_17 : memref<1x80x125xi32, #tpu.memory_space<hbm>> -> memref<80x125xi32, #tpu.memory_space<hbm>>
      %dma_wait3A_19 = arith.constant 0 : i32
      %dma_wait3A_20 = arith.constant 0 : i32
      %dma_wait3A_21 = tpu.memref_slice %arg4[%add3A, %dma_wait3A_19, %dma_wait3A_20] : memref<32x80x125xi32, #tpu.memory_space<hbm>> -> memref<1x80x125xi32, #tpu.memory_space<hbm>>
      %dma_wait3A_22 = tpu.memref_squeeze %dma_wait3A_21 : memref<1x80x125xi32, #tpu.memory_space<hbm>> -> memref<80x125xi32, #tpu.memory_space<hbm>>
      tpu.wait_dma2 semaphore(%run_scoped3A : memref<!tpu.dma_semaphore, #tpu.memory_space<semaphore_mem>>) src(%dma_wait3A_22 : memref<80x125xi32, #tpu.memory_space<hbm>>) dst(%arg8 : memref<80x125xi32, #tpu.memory_space<vmem>>)
      tpu.yield
    }) : () -> ()
    %barrier3A = arith.constant 0 : index
    tpu.barrier barrier_id(%barrier3A)
    %scan3A = arith.constant 0 : i32
    %scan3A_3 = arith.constant 0 : i32
    %scan3A_4 = arith.constant 80 : i32
    %scan3A_5 = arith.addi %scan3A_3, %scan3A_4 : i32
    %scan3A_6 = arith.constant 1 : i32
    scf.for %scan3A_9 = %scan3A_3 to %scan3A_5 step %scan3A_6  : i32 {
      %dma_start3A = arith.constant 0 : i32
      %dma_start3A_10 = tpu.memref_slice %arg7[%scan3A_9, %dma_start3A] : memref<80x125xi32, #tpu.memory_space<vmem>> -> memref<1x125xi32, #tpu.memory_space<vmem>>
      %dma_start3A_11 = tpu.memref_squeeze %dma_start3A_10 : memref<1x125xi32, #tpu.memory_space<vmem>> -> memref<125xi32, #tpu.memory_space<vmem>>
      %dma_start3A_12 = arith.constant 0 : i32
      %dma_start3A_13 = arith.constant 0 : i32
      %dma_start3A_14 = tpu.memref_slice %arg2[%dma_start3A_12, %dma_start3A_13] : memref<10000x128xf32, #tpu.memory_space<hbm>> -> memref<10000x128xf32, #tpu.memory_space<hbm>>
      tpu.enqueue_indirect_dma source(%dma_start3A_14 : memref<10000x128xf32, #tpu.memory_space<hbm>>) target(%arg9 : memref<125x128xf32, #tpu.memory_space<vmem>>) offsets(%dma_start3A_11 : memref<125xi32, #tpu.memory_space<vmem>>) semaphore(%arg11 : memref<!tpu.dma_semaphore, #tpu.memory_space<semaphore_mem>>)
      %dma_wait3A = arith.constant 0 : i32
      %dma_wait3A_15 = tpu.memref_slice %arg7[%scan3A_9, %dma_wait3A] : memref<80x125xi32, #tpu.memory_space<vmem>> -> memref<1x125xi32, #tpu.memory_space<vmem>>
      %dma_wait3A_16 = tpu.memref_squeeze %dma_wait3A_15 : memref<1x125xi32, #tpu.memory_space<vmem>> -> memref<125xi32, #tpu.memory_space<vmem>>
      %dma_wait3A_17 = arith.constant 0 : i32
      %dma_wait3A_18 = arith.constant 0 : i32
      %dma_wait3A_19 = tpu.memref_slice %arg2[%dma_wait3A_17, %dma_wait3A_18] : memref<10000x128xf32, #tpu.memory_space<hbm>> -> memref<10000x128xf32, #tpu.memory_space<hbm>>
      tpu.wait_indirect_dma semaphore(%arg11 : memref<!tpu.dma_semaphore, #tpu.memory_space<semaphore_mem>>) src(%dma_wait3A_19 : memref<10000x128xf32, #tpu.memory_space<hbm>>) dst(%arg9 : memref<125x128xf32, #tpu.memory_space<vmem>>)
      "tpu.region"() ({
        %run_scoped3A = tpu.sem_alloc : memref<!tpu.dma_semaphore, #tpu.memory_space<semaphore_mem>>
        %dma_start3A_20 = arith.constant 0 : i32
        %dma_start3A_21 = tpu.memref_slice %arg8[%scan3A_9, %dma_start3A_20] : memref<80x125xi32, #tpu.memory_space<vmem>> -> memref<1x125xi32, #tpu.memory_space<vmem>>
        %dma_start3A_22 = tpu.memref_squeeze %dma_start3A_21 : memref<1x125xi32, #tpu.memory_space<vmem>> -> memref<125xi32, #tpu.memory_space<vmem>>
        %dma_start3A_23 = arith.constant 0 : i32
        %dma_start3A_24 = arith.constant 0 : i32
        %dma_start3A_25 = tpu.memref_slice %arg10[%dma_start3A_23, %dma_start3A_24] : memref<10240x128xf32, #tpu.memory_space<vmem_shared>> -> memref<10240x128xf32, #tpu.memory_space<vmem_shared>>
        tpu.enqueue_indirect_dma source(%arg9 : memref<125x128xf32, #tpu.memory_space<vmem>>) target(%dma_start3A_25 : memref<10240x128xf32, #tpu.memory_space<vmem_shared>>) offsets(%dma_start3A_22 : memref<125xi32, #tpu.memory_space<vmem>>) semaphore(%run_scoped3A : memref<!tpu.dma_semaphore, #tpu.memory_space<semaphore_mem>>) {add = true}
        %dma_wait3A_26 = arith.constant 0 : i32
        %dma_wait3A_27 = tpu.memref_slice %arg8[%scan3A_9, %dma_wait3A_26] : memref<80x125xi32, #tpu.memory_space<vmem>> -> memref<1x125xi32, #tpu.memory_space<vmem>>
        %dma_wait3A_28 = tpu.memref_squeeze %dma_wait3A_27 : memref<1x125xi32, #tpu.memory_space<vmem>> -> memref<125xi32, #tpu.memory_space<vmem>>
        %dma_wait3A_29 = arith.constant 0 : i32
        %dma_wait3A_30 = arith.constant 0 : i32
        %dma_wait3A_31 = tpu.memref_slice %arg10[%dma_wait3A_29, %dma_wait3A_30] : memref<10240x128xf32, #tpu.memory_space<vmem_shared>> -> memref<10240x128xf32, #tpu.memory_space<vmem_shared>>
        tpu.wait_indirect_dma semaphore(%run_scoped3A : memref<!tpu.dma_semaphore, #tpu.memory_space<semaphore_mem>>) src(%arg9 : memref<125x128xf32, #tpu.memory_space<vmem>>) dst(%dma_wait3A_31 : memref<10240x128xf32, #tpu.memory_space<vmem_shared>>)
        tpu.yield
      }) : () -> ()
    }
    %scan3A_7 = arith.constant 80 : i32
    %barrier3A_8 = arith.constant 0 : index
    tpu.barrier barrier_id(%barrier3A_8)
    "tpu.region"() ({
      %run_scoped3A = tpu.sem_alloc : memref<!tpu.dma_semaphore, #tpu.memory_space<semaphore_mem>>
      %dma_start3A = arith.constant 0 : i32
      %dma_start3A_9 = arith.constant 0 : i32
      %dma_start3A_10 = tpu.memref_slice %arg6[%arg0, %dma_start3A, %dma_start3A_9] : memref<2x10240x128xf32, #tpu.memory_space<hbm>> -> memref<1x10240x128xf32, #tpu.memory_space<hbm>>
      %dma_start3A_11 = tpu.memref_squeeze %dma_start3A_10 : memref<1x10240x128xf32, #tpu.memory_space<hbm>> -> memref<10240x128xf32, #tpu.memory_space<hbm>>
      %dma_start3A_12 = arith.constant 0 : i32
      %dma_start3A_13 = tpu.memref_slice %dma_start3A_11[%mul3A_2, %dma_start3A_12] : memref<10240x128xf32, #tpu.memory_space<hbm>> -> memref<640x128xf32, #tpu.memory_space<hbm>>
      %dma_start3A_14 = arith.constant 0 : i32
      %dma_start3A_15 = tpu.memref_slice %arg10[%mul3A_2, %dma_start3A_14] : memref<10240x128xf32, #tpu.memory_space<vmem_shared>> -> memref<640x128xf32, #tpu.memory_space<vmem_shared>>
      tpu.enqueue_dma source(%dma_start3A_15 : memref<640x128xf32, #tpu.memory_space<vmem_shared>>) target(%dma_start3A_13 : memref<640x128xf32, #tpu.memory_space<hbm>>) target_semaphore(%run_scoped3A : memref<!tpu.dma_semaphore, #tpu.memory_space<semaphore_mem>>)
      %dma_wait3A = arith.constant 0 : i32
      %dma_wait3A_16 = arith.constant 0 : i32
      %dma_wait3A_17 = tpu.memref_slice %arg6[%arg0, %dma_wait3A, %dma_wait3A_16] : memref<2x10240x128xf32, #tpu.memory_space<hbm>> -> memref<1x10240x128xf32, #tpu.memory_space<hbm>>
      %dma_wait3A_18 = tpu.memref_squeeze %dma_wait3A_17 : memref<1x10240x128xf32, #tpu.memory_space<hbm>> -> memref<10240x128xf32, #tpu.memory_space<hbm>>
      %dma_wait3A_19 = arith.constant 0 : i32
      %dma_wait3A_20 = tpu.memref_slice %dma_wait3A_18[%mul3A_2, %dma_wait3A_19] : memref<10240x128xf32, #tpu.memory_space<hbm>> -> memref<640x128xf32, #tpu.memory_space<hbm>>
      %dma_wait3A_21 = arith.constant 0 : i32
      %dma_wait3A_22 = tpu.memref_slice %arg10[%mul3A_2, %dma_wait3A_21] : memref<10240x128xf32, #tpu.memory_space<vmem_shared>> -> memref<640x128xf32, #tpu.memory_space<vmem_shared>>
      tpu.wait_dma2 semaphore(%run_scoped3A : memref<!tpu.dma_semaphore, #tpu.memory_space<semaphore_mem>>) src(%dma_wait3A_22 : memref<640x128xf32, #tpu.memory_space<vmem_shared>>) dst(%dma_wait3A_20 : memref<640x128xf32, #tpu.memory_space<hbm>>)
      tpu.yield
    }) : () -> ()
    return
  }
}

#map = affine_map<(d0, d1) -> (0, 0, 0)>
#map1 = affine_map<(d0, d1) -> (0)>
#map2 = affine_map<(d0, d1) -> (0, 0)>
module attributes {stable_mosaic.version = 14 : i64} {
  func.func @sc_edge_cnt(%arg0: i32, %arg1: i32, %arg2: memref<32x80x125xi32, #tpu.memory_space<hbm>>, %arg3: memref<125xf32, #tpu.memory_space<hbm>>, %arg4: memref<51200xf32, #tpu.memory_space<hbm>>, %arg5: memref<2x51200xf32, #tpu.memory_space<hbm>>, %arg6: memref<80x125xi32, #tpu.memory_space<vmem>>, %arg7: memref<125xf32, #tpu.memory_space<vmem>>, %arg8: memref<51200xf32, #tpu.memory_space<vmem_shared>>, %arg9: memref<!tpu.dma_semaphore, #tpu.memory_space<semaphore_mem>>) attributes {dimension_semantics = [#tpu.dimension_semantics<core_parallel>, #tpu.dimension_semantics<subcore_parallel>], iteration_bounds = array<i64: 2, 16>, scalar_prefetch = 0 : i64, scratch_operands = 4 : i64, tpu.core_type = #tpu.core_type<sc_vector_subcore>, window_params = [{transform_indices = #map}, {transform_indices = #map1}, {transform_indices = #map1}, {transform_indices = #map2}]} {
    %mul3A = arith.constant 2 : i32
    %mul3A_0 = arith.muli %arg1, %mul3A : i32
    %add3A = arith.addi %mul3A_0, %arg0 : i32
    %mul3A_1 = arith.constant 640 : i32
    %mul3A_2 = arith.muli %arg1, %mul3A_1 : i32
    %mul3A_3 = arith.constant 5 : i32
    %mul3A_4 = arith.muli %mul3A_2, %mul3A_3 : i32
    "tpu.region"() ({
      %run_scoped3A = tpu.sem_alloc : memref<!tpu.dma_semaphore, #tpu.memory_space<semaphore_mem>>
      %dma_start3A = tpu.memref_slice %arg8[%mul3A_4] : memref<51200xf32, #tpu.memory_space<vmem_shared>> -> memref<3200xf32, #tpu.memory_space<vmem_shared>>
      %dma_start3A_11 = tpu.memref_slice %arg4[%mul3A_4] : memref<51200xf32, #tpu.memory_space<hbm>> -> memref<3200xf32, #tpu.memory_space<hbm>>
      tpu.enqueue_dma source(%dma_start3A_11 : memref<3200xf32, #tpu.memory_space<hbm>>) target(%dma_start3A : memref<3200xf32, #tpu.memory_space<vmem_shared>>) target_semaphore(%run_scoped3A : memref<!tpu.dma_semaphore, #tpu.memory_space<semaphore_mem>>)
      %dma_wait3A = tpu.memref_slice %arg8[%mul3A_4] : memref<51200xf32, #tpu.memory_space<vmem_shared>> -> memref<3200xf32, #tpu.memory_space<vmem_shared>>
      %dma_wait3A_12 = tpu.memref_slice %arg4[%mul3A_4] : memref<51200xf32, #tpu.memory_space<hbm>> -> memref<3200xf32, #tpu.memory_space<hbm>>
      tpu.wait_dma2 semaphore(%run_scoped3A : memref<!tpu.dma_semaphore, #tpu.memory_space<semaphore_mem>>) src(%dma_wait3A_12 : memref<3200xf32, #tpu.memory_space<hbm>>) dst(%dma_wait3A : memref<3200xf32, #tpu.memory_space<vmem_shared>>)
      tpu.yield
    }) : () -> ()
    "tpu.region"() ({
      %run_scoped3A = tpu.sem_alloc : memref<!tpu.dma_semaphore, #tpu.memory_space<semaphore_mem>>
      %dma_start3A = arith.constant 0 : i32
      %dma_start3A_11 = arith.constant 0 : i32
      %dma_start3A_12 = tpu.memref_slice %arg2[%add3A, %dma_start3A, %dma_start3A_11] : memref<32x80x125xi32, #tpu.memory_space<hbm>> -> memref<1x80x125xi32, #tpu.memory_space<hbm>>
      %dma_start3A_13 = tpu.memref_squeeze %dma_start3A_12 : memref<1x80x125xi32, #tpu.memory_space<hbm>> -> memref<80x125xi32, #tpu.memory_space<hbm>>
      %dma_start3A_14 = arith.constant 0 : i32
      %dma_start3A_15 = arith.constant 0 : i32
      %dma_start3A_16 = tpu.memref_slice %arg2[%add3A, %dma_start3A_14, %dma_start3A_15] : memref<32x80x125xi32, #tpu.memory_space<hbm>> -> memref<1x80x125xi32, #tpu.memory_space<hbm>>
      %dma_start3A_17 = tpu.memref_squeeze %dma_start3A_16 : memref<1x80x125xi32, #tpu.memory_space<hbm>> -> memref<80x125xi32, #tpu.memory_space<hbm>>
      tpu.enqueue_dma source(%dma_start3A_17 : memref<80x125xi32, #tpu.memory_space<hbm>>) target(%arg6 : memref<80x125xi32, #tpu.memory_space<vmem>>) target_semaphore(%run_scoped3A : memref<!tpu.dma_semaphore, #tpu.memory_space<semaphore_mem>>)
      %dma_wait3A = arith.constant 0 : i32
      %dma_wait3A_18 = arith.constant 0 : i32
      %dma_wait3A_19 = tpu.memref_slice %arg2[%add3A, %dma_wait3A, %dma_wait3A_18] : memref<32x80x125xi32, #tpu.memory_space<hbm>> -> memref<1x80x125xi32, #tpu.memory_space<hbm>>
      %dma_wait3A_20 = tpu.memref_squeeze %dma_wait3A_19 : memref<1x80x125xi32, #tpu.memory_space<hbm>> -> memref<80x125xi32, #tpu.memory_space<hbm>>
      %dma_wait3A_21 = arith.constant 0 : i32
      %dma_wait3A_22 = arith.constant 0 : i32
      %dma_wait3A_23 = tpu.memref_slice %arg2[%add3A, %dma_wait3A_21, %dma_wait3A_22] : memref<32x80x125xi32, #tpu.memory_space<hbm>> -> memref<1x80x125xi32, #tpu.memory_space<hbm>>
      %dma_wait3A_24 = tpu.memref_squeeze %dma_wait3A_23 : memref<1x80x125xi32, #tpu.memory_space<hbm>> -> memref<80x125xi32, #tpu.memory_space<hbm>>
      tpu.wait_dma2 semaphore(%run_scoped3A : memref<!tpu.dma_semaphore, #tpu.memory_space<semaphore_mem>>) src(%dma_wait3A_24 : memref<80x125xi32, #tpu.memory_space<hbm>>) dst(%arg6 : memref<80x125xi32, #tpu.memory_space<vmem>>)
      tpu.yield
    }) : () -> ()
    "tpu.region"() ({
      %run_scoped3A = tpu.sem_alloc : memref<!tpu.dma_semaphore, #tpu.memory_space<semaphore_mem>>
      tpu.enqueue_dma source(%arg3 : memref<125xf32, #tpu.memory_space<hbm>>) target(%arg7 : memref<125xf32, #tpu.memory_space<vmem>>) target_semaphore(%run_scoped3A : memref<!tpu.dma_semaphore, #tpu.memory_space<semaphore_mem>>)
      tpu.wait_dma2 semaphore(%run_scoped3A : memref<!tpu.dma_semaphore, #tpu.memory_space<semaphore_mem>>) src(%arg3 : memref<125xf32, #tpu.memory_space<hbm>>) dst(%arg7 : memref<125xf32, #tpu.memory_space<vmem>>)
      tpu.yield
    }) : () -> ()
    %barrier3A = arith.constant 0 : index
    tpu.barrier barrier_id(%barrier3A)
    %scan3A = arith.constant 0 : i32
    %scan3A_5 = arith.constant 0 : i32
    %scan3A_6 = arith.constant 80 : i32
    %scan3A_7 = arith.addi %scan3A_5, %scan3A_6 : i32
    %scan3A_8 = arith.constant 1 : i32
    scf.for %scan3A_11 = %scan3A_5 to %scan3A_7 step %scan3A_8  : i32 {
      "tpu.region"() ({
        %run_scoped3A = tpu.sem_alloc : memref<!tpu.dma_semaphore, #tpu.memory_space<semaphore_mem>>
        %dma_start3A = arith.constant 0 : i32
        %dma_start3A_12 = tpu.memref_slice %arg6[%scan3A_11, %dma_start3A] : memref<80x125xi32, #tpu.memory_space<vmem>> -> memref<1x125xi32, #tpu.memory_space<vmem>>
        %dma_start3A_13 = tpu.memref_squeeze %dma_start3A_12 : memref<1x125xi32, #tpu.memory_space<vmem>> -> memref<125xi32, #tpu.memory_space<vmem>>
        %dma_start3A_14 = arith.constant 0 : i32
        %dma_start3A_15 = tpu.memref_slice %arg8[%dma_start3A_14] : memref<51200xf32, #tpu.memory_space<vmem_shared>> -> memref<51200xf32, #tpu.memory_space<vmem_shared>>
        tpu.enqueue_indirect_dma source(%arg7 : memref<125xf32, #tpu.memory_space<vmem>>) target(%dma_start3A_15 : memref<51200xf32, #tpu.memory_space<vmem_shared>>) offsets(%dma_start3A_13 : memref<125xi32, #tpu.memory_space<vmem>>) semaphore(%run_scoped3A : memref<!tpu.dma_semaphore, #tpu.memory_space<semaphore_mem>>) {add = true}
        %dma_wait3A = arith.constant 0 : i32
        %dma_wait3A_16 = tpu.memref_slice %arg6[%scan3A_11, %dma_wait3A] : memref<80x125xi32, #tpu.memory_space<vmem>> -> memref<1x125xi32, #tpu.memory_space<vmem>>
        %dma_wait3A_17 = tpu.memref_squeeze %dma_wait3A_16 : memref<1x125xi32, #tpu.memory_space<vmem>> -> memref<125xi32, #tpu.memory_space<vmem>>
        %dma_wait3A_18 = arith.constant 0 : i32
        %dma_wait3A_19 = tpu.memref_slice %arg8[%dma_wait3A_18] : memref<51200xf32, #tpu.memory_space<vmem_shared>> -> memref<51200xf32, #tpu.memory_space<vmem_shared>>
        tpu.wait_indirect_dma semaphore(%run_scoped3A : memref<!tpu.dma_semaphore, #tpu.memory_space<semaphore_mem>>) src(%arg7 : memref<125xf32, #tpu.memory_space<vmem>>) dst(%dma_wait3A_19 : memref<51200xf32, #tpu.memory_space<vmem_shared>>)
        tpu.yield
      }) : () -> ()
    }
    %scan3A_9 = arith.constant 80 : i32
    %barrier3A_10 = arith.constant 0 : index
    tpu.barrier barrier_id(%barrier3A_10)
    "tpu.region"() ({
      %run_scoped3A = tpu.sem_alloc : memref<!tpu.dma_semaphore, #tpu.memory_space<semaphore_mem>>
      %dma_start3A = arith.constant 0 : i32
      %dma_start3A_11 = tpu.memref_slice %arg5[%arg0, %dma_start3A] : memref<2x51200xf32, #tpu.memory_space<hbm>> -> memref<1x51200xf32, #tpu.memory_space<hbm>>
      %dma_start3A_12 = tpu.memref_squeeze %dma_start3A_11 : memref<1x51200xf32, #tpu.memory_space<hbm>> -> memref<51200xf32, #tpu.memory_space<hbm>>
      %dma_start3A_13 = tpu.memref_slice %dma_start3A_12[%mul3A_4] : memref<51200xf32, #tpu.memory_space<hbm>> -> memref<3200xf32, #tpu.memory_space<hbm>>
      %dma_start3A_14 = tpu.memref_slice %arg8[%mul3A_4] : memref<51200xf32, #tpu.memory_space<vmem_shared>> -> memref<3200xf32, #tpu.memory_space<vmem_shared>>
      tpu.enqueue_dma source(%dma_start3A_14 : memref<3200xf32, #tpu.memory_space<vmem_shared>>) target(%dma_start3A_13 : memref<3200xf32, #tpu.memory_space<hbm>>) target_semaphore(%run_scoped3A : memref<!tpu.dma_semaphore, #tpu.memory_space<semaphore_mem>>)
      %dma_wait3A = arith.constant 0 : i32
      %dma_wait3A_15 = tpu.memref_slice %arg5[%arg0, %dma_wait3A] : memref<2x51200xf32, #tpu.memory_space<hbm>> -> memref<1x51200xf32, #tpu.memory_space<hbm>>
      %dma_wait3A_16 = tpu.memref_squeeze %dma_wait3A_15 : memref<1x51200xf32, #tpu.memory_space<hbm>> -> memref<51200xf32, #tpu.memory_space<hbm>>
      %dma_wait3A_17 = tpu.memref_slice %dma_wait3A_16[%mul3A_4] : memref<51200xf32, #tpu.memory_space<hbm>> -> memref<3200xf32, #tpu.memory_space<hbm>>
      %dma_wait3A_18 = tpu.memref_slice %arg8[%mul3A_4] : memref<51200xf32, #tpu.memory_space<vmem_shared>> -> memref<3200xf32, #tpu.memory_space<vmem_shared>>
      tpu.wait_dma2 semaphore(%run_scoped3A : memref<!tpu.dma_semaphore, #tpu.memory_space<semaphore_mem>>) src(%dma_wait3A_18 : memref<3200xf32, #tpu.memory_space<vmem_shared>>) dst(%dma_wait3A_17 : memref<3200xf32, #tpu.memory_space<hbm>>)
      tpu.yield
    }) : () -> ()
    return
  }
}

#map = affine_map<(d0, d1) -> (0, 0)>
#map1 = affine_map<(d0, d1) -> (0, 0, 0)>
module attributes {stable_mosaic.version = 14 : i64} {
  func.func @sc_edge_agg(%arg0: i32, %arg1: i32, %arg2: memref<10000x128xf32, #tpu.memory_space<hbm>>, %arg3: memref<32x80x125xi32, #tpu.memory_space<hbm>>, %arg4: memref<32x80x125xi32, #tpu.memory_space<hbm>>, %arg5: memref<10240x128xf32, #tpu.memory_space<hbm>>, %arg6: memref<2x10240x128xf32, #tpu.memory_space<hbm>>, %arg7: memref<80x125xi32, #tpu.memory_space<vmem>>, %arg8: memref<80x125xi32, #tpu.memory_space<vmem>>, %arg9: memref<125x128xf32, #tpu.memory_space<vmem>>, %arg10: memref<10240x128xf32, #tpu.memory_space<vmem_shared>>, %arg11: memref<!tpu.dma_semaphore, #tpu.memory_space<semaphore_mem>>) attributes {dimension_semantics = [#tpu.dimension_semantics<core_parallel>, #tpu.dimension_semantics<subcore_parallel>], iteration_bounds = array<i64: 2, 16>, scalar_prefetch = 0 : i64, scratch_operands = 5 : i64, tpu.core_type = #tpu.core_type<sc_vector_subcore>, window_params = [{transform_indices = #map}, {transform_indices = #map1}, {transform_indices = #map1}, {transform_indices = #map}, {transform_indices = #map1}]} {
    %mul3A = arith.constant 2 : i32
    %mul3A_0 = arith.muli %arg1, %mul3A : i32
    %add3A = arith.addi %mul3A_0, %arg0 : i32
    %mul3A_1 = arith.constant 640 : i32
    %mul3A_2 = arith.muli %arg1, %mul3A_1 : i32
    "tpu.region"() ({
      %run_scoped3A = tpu.sem_alloc : memref<!tpu.dma_semaphore, #tpu.memory_space<semaphore_mem>>
      %dma_start3A = arith.constant 0 : i32
      %dma_start3A_9 = tpu.memref_slice %arg10[%mul3A_2, %dma_start3A] : memref<10240x128xf32, #tpu.memory_space<vmem_shared>> -> memref<640x128xf32, #tpu.memory_space<vmem_shared>>
      %dma_start3A_10 = arith.constant 0 : i32
      %dma_start3A_11 = tpu.memref_slice %arg5[%mul3A_2, %dma_start3A_10] : memref<10240x128xf32, #tpu.memory_space<hbm>> -> memref<640x128xf32, #tpu.memory_space<hbm>>
      tpu.enqueue_dma source(%dma_start3A_11 : memref<640x128xf32, #tpu.memory_space<hbm>>) target(%dma_start3A_9 : memref<640x128xf32, #tpu.memory_space<vmem_shared>>) target_semaphore(%run_scoped3A : memref<!tpu.dma_semaphore, #tpu.memory_space<semaphore_mem>>)
      %dma_wait3A = arith.constant 0 : i32
      %dma_wait3A_12 = tpu.memref_slice %arg10[%mul3A_2, %dma_wait3A] : memref<10240x128xf32, #tpu.memory_space<vmem_shared>> -> memref<640x128xf32, #tpu.memory_space<vmem_shared>>
      %dma_wait3A_13 = arith.constant 0 : i32
      %dma_wait3A_14 = tpu.memref_slice %arg5[%mul3A_2, %dma_wait3A_13] : memref<10240x128xf32, #tpu.memory_space<hbm>> -> memref<640x128xf32, #tpu.memory_space<hbm>>
      tpu.wait_dma2 semaphore(%run_scoped3A : memref<!tpu.dma_semaphore, #tpu.memory_space<semaphore_mem>>) src(%dma_wait3A_14 : memref<640x128xf32, #tpu.memory_space<hbm>>) dst(%dma_wait3A_12 : memref<640x128xf32, #tpu.memory_space<vmem_shared>>)
      tpu.yield
    }) : () -> ()
    "tpu.region"() ({
      %run_scoped3A = tpu.sem_alloc : memref<!tpu.dma_semaphore, #tpu.memory_space<semaphore_mem>>
      %dma_start3A = arith.constant 0 : i32
      %dma_start3A_9 = arith.constant 0 : i32
      %dma_start3A_10 = tpu.memref_slice %arg3[%add3A, %dma_start3A, %dma_start3A_9] : memref<32x80x125xi32, #tpu.memory_space<hbm>> -> memref<1x80x125xi32, #tpu.memory_space<hbm>>
      %dma_start3A_11 = tpu.memref_squeeze %dma_start3A_10 : memref<1x80x125xi32, #tpu.memory_space<hbm>> -> memref<80x125xi32, #tpu.memory_space<hbm>>
      %dma_start3A_12 = arith.constant 0 : i32
      %dma_start3A_13 = arith.constant 0 : i32
      %dma_start3A_14 = tpu.memref_slice %arg3[%add3A, %dma_start3A_12, %dma_start3A_13] : memref<32x80x125xi32, #tpu.memory_space<hbm>> -> memref<1x80x125xi32, #tpu.memory_space<hbm>>
      %dma_start3A_15 = tpu.memref_squeeze %dma_start3A_14 : memref<1x80x125xi32, #tpu.memory_space<hbm>> -> memref<80x125xi32, #tpu.memory_space<hbm>>
      tpu.enqueue_dma source(%dma_start3A_15 : memref<80x125xi32, #tpu.memory_space<hbm>>) target(%arg7 : memref<80x125xi32, #tpu.memory_space<vmem>>) target_semaphore(%run_scoped3A : memref<!tpu.dma_semaphore, #tpu.memory_space<semaphore_mem>>)
      %dma_wait3A = arith.constant 0 : i32
      %dma_wait3A_16 = arith.constant 0 : i32
      %dma_wait3A_17 = tpu.memref_slice %arg3[%add3A, %dma_wait3A, %dma_wait3A_16] : memref<32x80x125xi32, #tpu.memory_space<hbm>> -> memref<1x80x125xi32, #tpu.memory_space<hbm>>
      %dma_wait3A_18 = tpu.memref_squeeze %dma_wait3A_17 : memref<1x80x125xi32, #tpu.memory_space<hbm>> -> memref<80x125xi32, #tpu.memory_space<hbm>>
      %dma_wait3A_19 = arith.constant 0 : i32
      %dma_wait3A_20 = arith.constant 0 : i32
      %dma_wait3A_21 = tpu.memref_slice %arg3[%add3A, %dma_wait3A_19, %dma_wait3A_20] : memref<32x80x125xi32, #tpu.memory_space<hbm>> -> memref<1x80x125xi32, #tpu.memory_space<hbm>>
      %dma_wait3A_22 = tpu.memref_squeeze %dma_wait3A_21 : memref<1x80x125xi32, #tpu.memory_space<hbm>> -> memref<80x125xi32, #tpu.memory_space<hbm>>
      tpu.wait_dma2 semaphore(%run_scoped3A : memref<!tpu.dma_semaphore, #tpu.memory_space<semaphore_mem>>) src(%dma_wait3A_22 : memref<80x125xi32, #tpu.memory_space<hbm>>) dst(%arg7 : memref<80x125xi32, #tpu.memory_space<vmem>>)
      tpu.yield
    }) : () -> ()
    "tpu.region"() ({
      %run_scoped3A = tpu.sem_alloc : memref<!tpu.dma_semaphore, #tpu.memory_space<semaphore_mem>>
      %dma_start3A = arith.constant 0 : i32
      %dma_start3A_9 = arith.constant 0 : i32
      %dma_start3A_10 = tpu.memref_slice %arg4[%add3A, %dma_start3A, %dma_start3A_9] : memref<32x80x125xi32, #tpu.memory_space<hbm>> -> memref<1x80x125xi32, #tpu.memory_space<hbm>>
      %dma_start3A_11 = tpu.memref_squeeze %dma_start3A_10 : memref<1x80x125xi32, #tpu.memory_space<hbm>> -> memref<80x125xi32, #tpu.memory_space<hbm>>
      %dma_start3A_12 = arith.constant 0 : i32
      %dma_start3A_13 = arith.constant 0 : i32
      %dma_start3A_14 = tpu.memref_slice %arg4[%add3A, %dma_start3A_12, %dma_start3A_13] : memref<32x80x125xi32, #tpu.memory_space<hbm>> -> memref<1x80x125xi32, #tpu.memory_space<hbm>>
      %dma_start3A_15 = tpu.memref_squeeze %dma_start3A_14 : memref<1x80x125xi32, #tpu.memory_space<hbm>> -> memref<80x125xi32, #tpu.memory_space<hbm>>
      tpu.enqueue_dma source(%dma_start3A_15 : memref<80x125xi32, #tpu.memory_space<hbm>>) target(%arg8 : memref<80x125xi32, #tpu.memory_space<vmem>>) target_semaphore(%run_scoped3A : memref<!tpu.dma_semaphore, #tpu.memory_space<semaphore_mem>>)
      %dma_wait3A = arith.constant 0 : i32
      %dma_wait3A_16 = arith.constant 0 : i32
      %dma_wait3A_17 = tpu.memref_slice %arg4[%add3A, %dma_wait3A, %dma_wait3A_16] : memref<32x80x125xi32, #tpu.memory_space<hbm>> -> memref<1x80x125xi32, #tpu.memory_space<hbm>>
      %dma_wait3A_18 = tpu.memref_squeeze %dma_wait3A_17 : memref<1x80x125xi32, #tpu.memory_space<hbm>> -> memref<80x125xi32, #tpu.memory_space<hbm>>
      %dma_wait3A_19 = arith.constant 0 : i32
      %dma_wait3A_20 = arith.constant 0 : i32
      %dma_wait3A_21 = tpu.memref_slice %arg4[%add3A, %dma_wait3A_19, %dma_wait3A_20] : memref<32x80x125xi32, #tpu.memory_space<hbm>> -> memref<1x80x125xi32, #tpu.memory_space<hbm>>
      %dma_wait3A_22 = tpu.memref_squeeze %dma_wait3A_21 : memref<1x80x125xi32, #tpu.memory_space<hbm>> -> memref<80x125xi32, #tpu.memory_space<hbm>>
      tpu.wait_dma2 semaphore(%run_scoped3A : memref<!tpu.dma_semaphore, #tpu.memory_space<semaphore_mem>>) src(%dma_wait3A_22 : memref<80x125xi32, #tpu.memory_space<hbm>>) dst(%arg8 : memref<80x125xi32, #tpu.memory_space<vmem>>)
      tpu.yield
    }) : () -> ()
    %barrier3A = arith.constant 0 : index
    tpu.barrier barrier_id(%barrier3A)
    %scan3A = arith.constant 0 : i32
    %scan3A_3 = arith.constant 0 : i32
    %scan3A_4 = arith.constant 80 : i32
    %scan3A_5 = arith.addi %scan3A_3, %scan3A_4 : i32
    %scan3A_6 = arith.constant 1 : i32
    scf.for %scan3A_9 = %scan3A_3 to %scan3A_5 step %scan3A_6  : i32 {
      %dma_start3A = arith.constant 0 : i32
      %dma_start3A_10 = tpu.memref_slice %arg7[%scan3A_9, %dma_start3A] : memref<80x125xi32, #tpu.memory_space<vmem>> -> memref<1x125xi32, #tpu.memory_space<vmem>>
      %dma_start3A_11 = tpu.memref_squeeze %dma_start3A_10 : memref<1x125xi32, #tpu.memory_space<vmem>> -> memref<125xi32, #tpu.memory_space<vmem>>
      %dma_start3A_12 = arith.constant 0 : i32
      %dma_start3A_13 = arith.constant 0 : i32
      %dma_start3A_14 = tpu.memref_slice %arg2[%dma_start3A_12, %dma_start3A_13] : memref<10000x128xf32, #tpu.memory_space<hbm>> -> memref<10000x128xf32, #tpu.memory_space<hbm>>
      tpu.enqueue_indirect_dma source(%dma_start3A_14 : memref<10000x128xf32, #tpu.memory_space<hbm>>) target(%arg9 : memref<125x128xf32, #tpu.memory_space<vmem>>) offsets(%dma_start3A_11 : memref<125xi32, #tpu.memory_space<vmem>>) semaphore(%arg11 : memref<!tpu.dma_semaphore, #tpu.memory_space<semaphore_mem>>)
      %dma_wait3A = arith.constant 0 : i32
      %dma_wait3A_15 = tpu.memref_slice %arg7[%scan3A_9, %dma_wait3A] : memref<80x125xi32, #tpu.memory_space<vmem>> -> memref<1x125xi32, #tpu.memory_space<vmem>>
      %dma_wait3A_16 = tpu.memref_squeeze %dma_wait3A_15 : memref<1x125xi32, #tpu.memory_space<vmem>> -> memref<125xi32, #tpu.memory_space<vmem>>
      %dma_wait3A_17 = arith.constant 0 : i32
      %dma_wait3A_18 = arith.constant 0 : i32
      %dma_wait3A_19 = tpu.memref_slice %arg2[%dma_wait3A_17, %dma_wait3A_18] : memref<10000x128xf32, #tpu.memory_space<hbm>> -> memref<10000x128xf32, #tpu.memory_space<hbm>>
      tpu.wait_indirect_dma semaphore(%arg11 : memref<!tpu.dma_semaphore, #tpu.memory_space<semaphore_mem>>) src(%dma_wait3A_19 : memref<10000x128xf32, #tpu.memory_space<hbm>>) dst(%arg9 : memref<125x128xf32, #tpu.memory_space<vmem>>)
      "tpu.region"() ({
        %run_scoped3A = tpu.sem_alloc : memref<!tpu.dma_semaphore, #tpu.memory_space<semaphore_mem>>
        %dma_start3A_20 = arith.constant 0 : i32
        %dma_start3A_21 = tpu.memref_slice %arg8[%scan3A_9, %dma_start3A_20] : memref<80x125xi32, #tpu.memory_space<vmem>> -> memref<1x125xi32, #tpu.memory_space<vmem>>
        %dma_start3A_22 = tpu.memref_squeeze %dma_start3A_21 : memref<1x125xi32, #tpu.memory_space<vmem>> -> memref<125xi32, #tpu.memory_space<vmem>>
        %dma_start3A_23 = arith.constant 0 : i32
        %dma_start3A_24 = arith.constant 0 : i32
        %dma_start3A_25 = tpu.memref_slice %arg10[%dma_start3A_23, %dma_start3A_24] : memref<10240x128xf32, #tpu.memory_space<vmem_shared>> -> memref<10240x128xf32, #tpu.memory_space<vmem_shared>>
        tpu.enqueue_indirect_dma source(%arg9 : memref<125x128xf32, #tpu.memory_space<vmem>>) target(%dma_start3A_25 : memref<10240x128xf32, #tpu.memory_space<vmem_shared>>) offsets(%dma_start3A_22 : memref<125xi32, #tpu.memory_space<vmem>>) semaphore(%run_scoped3A : memref<!tpu.dma_semaphore, #tpu.memory_space<semaphore_mem>>) {add = true}
        %dma_wait3A_26 = arith.constant 0 : i32
        %dma_wait3A_27 = tpu.memref_slice %arg8[%scan3A_9, %dma_wait3A_26] : memref<80x125xi32, #tpu.memory_space<vmem>> -> memref<1x125xi32, #tpu.memory_space<vmem>>
        %dma_wait3A_28 = tpu.memref_squeeze %dma_wait3A_27 : memref<1x125xi32, #tpu.memory_space<vmem>> -> memref<125xi32, #tpu.memory_space<vmem>>
        %dma_wait3A_29 = arith.constant 0 : i32
        %dma_wait3A_30 = arith.constant 0 : i32
        %dma_wait3A_31 = tpu.memref_slice %arg10[%dma_wait3A_29, %dma_wait3A_30] : memref<10240x128xf32, #tpu.memory_space<vmem_shared>> -> memref<10240x128xf32, #tpu.memory_space<vmem_shared>>
        tpu.wait_indirect_dma semaphore(%run_scoped3A : memref<!tpu.dma_semaphore, #tpu.memory_space<semaphore_mem>>) src(%arg9 : memref<125x128xf32, #tpu.memory_space<vmem>>) dst(%dma_wait3A_31 : memref<10240x128xf32, #tpu.memory_space<vmem_shared>>)
        tpu.yield
      }) : () -> ()
    }
    %scan3A_7 = arith.constant 80 : i32
    %barrier3A_8 = arith.constant 0 : index
    tpu.barrier barrier_id(%barrier3A_8)
    "tpu.region"() ({
      %run_scoped3A = tpu.sem_alloc : memref<!tpu.dma_semaphore, #tpu.memory_space<semaphore_mem>>
      %dma_start3A = arith.constant 0 : i32
      %dma_start3A_9 = arith.constant 0 : i32
      %dma_start3A_10 = tpu.memref_slice %arg6[%arg0, %dma_start3A, %dma_start3A_9] : memref<2x10240x128xf32, #tpu.memory_space<hbm>> -> memref<1x10240x128xf32, #tpu.memory_space<hbm>>
      %dma_start3A_11 = tpu.memref_squeeze %dma_start3A_10 : memref<1x10240x128xf32, #tpu.memory_space<hbm>> -> memref<10240x128xf32, #tpu.memory_space<hbm>>
      %dma_start3A_12 = arith.constant 0 : i32
      %dma_start3A_13 = tpu.memref_slice %dma_start3A_11[%mul3A_2, %dma_start3A_12] : memref<10240x128xf32, #tpu.memory_space<hbm>> -> memref<640x128xf32, #tpu.memory_space<hbm>>
      %dma_start3A_14 = arith.constant 0 : i32
      %dma_start3A_15 = tpu.memref_slice %arg10[%mul3A_2, %dma_start3A_14] : memref<10240x128xf32, #tpu.memory_space<vmem_shared>> -> memref<640x128xf32, #tpu.memory_space<vmem_shared>>
      tpu.enqueue_dma source(%dma_start3A_15 : memref<640x128xf32, #tpu.memory_space<vmem_shared>>) target(%dma_start3A_13 : memref<640x128xf32, #tpu.memory_space<hbm>>) target_semaphore(%run_scoped3A : memref<!tpu.dma_semaphore, #tpu.memory_space<semaphore_mem>>)
      %dma_wait3A = arith.constant 0 : i32
      %dma_wait3A_16 = arith.constant 0 : i32
      %dma_wait3A_17 = tpu.memref_slice %arg6[%arg0, %dma_wait3A, %dma_wait3A_16] : memref<2x10240x128xf32, #tpu.memory_space<hbm>> -> memref<1x10240x128xf32, #tpu.memory_space<hbm>>
      %dma_wait3A_18 = tpu.memref_squeeze %dma_wait3A_17 : memref<1x10240x128xf32, #tpu.memory_space<hbm>> -> memref<10240x128xf32, #tpu.memory_space<hbm>>
      %dma_wait3A_19 = arith.constant 0 : i32
      %dma_wait3A_20 = tpu.memref_slice %dma_wait3A_18[%mul3A_2, %dma_wait3A_19] : memref<10240x128xf32, #tpu.memory_space<hbm>> -> memref<640x128xf32, #tpu.memory_space<hbm>>
      %dma_wait3A_21 = arith.constant 0 : i32
      %dma_wait3A_22 = tpu.memref_slice %arg10[%mul3A_2, %dma_wait3A_21] : memref<10240x128xf32, #tpu.memory_space<vmem_shared>> -> memref<640x128xf32, #tpu.memory_space<vmem_shared>>
      tpu.wait_dma2 semaphore(%run_scoped3A : memref<!tpu.dma_semaphore, #tpu.memory_space<semaphore_mem>>) src(%dma_wait3A_22 : memref<640x128xf32, #tpu.memory_space<vmem_shared>>) dst(%dma_wait3A_20 : memref<640x128xf32, #tpu.memory_space<hbm>>)
      tpu.yield
    }) : () -> ()
    return
  }
}

module attributes {stable_mosaic.version = 14 : i64} {
  func.func @_embed_body(%arg0: i32, %arg1: memref<1000x32xf32, #tpu.memory_space<vmem>>, %arg2: memref<1000x128xf32, #tpu.memory_space<vmem>>, %arg3: memref<32x128xf32, #tpu.memory_space<vmem>>, %arg4: memref<128x128xf32, #tpu.memory_space<vmem>>, %arg5: memref<1x128xf32, #tpu.memory_space<vmem>>, %arg6: memref<1000x128xf32, #tpu.memory_space<vmem>>) attributes {dimension_semantics = [#tpu.dimension_semantics<arbitrary>], iteration_bounds = array<i64: 10>, scalar_prefetch = 0 : i64, scratch_operands = 0 : i64, tpu.core_type = #tpu.core_type<tc>, window_params = [{transform_indices = @transform_0, window_bounds = array<i64: 1000, 32>}, {transform_indices = @transform_1, window_bounds = array<i64: 1000, 128>}, {pipeline_mode = #tpu.pipeline_mode<synchronous>, transform_indices = @transform_2, window_bounds = array<i64: 32, 128>}, {pipeline_mode = #tpu.pipeline_mode<synchronous>, transform_indices = @transform_3, window_bounds = array<i64: 128, 128>}, {pipeline_mode = #tpu.pipeline_mode<synchronous>, transform_indices = @transform_4, window_bounds = array<i64: 1, 128>}, {transform_indices = @transform_5, window_bounds = array<i64: 1000, 128>}]} {
    %get3A = arith.constant 0 : index
    %get3A_0 = arith.constant 0 : index
    %get3A_1 = vector.load %arg1[%get3A, %get3A_0] : memref<1000x32xf32, #tpu.memory_space<vmem>>, vector<1000x32xf32>
    %get3A_2 = arith.constant 0 : index
    %get3A_3 = arith.constant 0 : index
    %get3A_4 = vector.load %arg3[%get3A_2, %get3A_3] : memref<32x128xf32, #tpu.memory_space<vmem>>, vector<32x128xf32>
    %dot_general3A = arith.constant dense<0.000000e+00> : vector<1000x128xf32>
    %dot_general3A_5 = tpu.matmul %get3A_1, %get3A_4, %dot_general3A {dimension_numbers = #tpu.dot_dimension_numbers<[1], [0], [0], [1], [0, 0, 1, 1], [], []>, transpose_lhs_hint = false} : vector<1000x32xf32>, vector<32x128xf32>, vector<1000x128xf32> -> vector<1000x128xf32>
    %get3A_6 = arith.constant 0 : index
    %get3A_7 = arith.constant 0 : index
    %get3A_8 = vector.load %arg2[%get3A_6, %get3A_7] : memref<1000x128xf32, #tpu.memory_space<vmem>>, vector<1000x128xf32>
    %get3A_9 = arith.constant 0 : index
    %get3A_10 = arith.constant 0 : index
    %get3A_11 = vector.load %arg4[%get3A_9, %get3A_10] : memref<128x128xf32, #tpu.memory_space<vmem>>, vector<128x128xf32>
    %dot_general3A_12 = arith.constant dense<0.000000e+00> : vector<1000x128xf32>
    %dot_general3A_13 = tpu.matmul %get3A_8, %get3A_11, %dot_general3A_12 {dimension_numbers = #tpu.dot_dimension_numbers<[1], [0], [0], [1], [0, 0, 1, 1], [], []>, transpose_lhs_hint = false} : vector<1000x128xf32>, vector<128x128xf32>, vector<1000x128xf32> -> vector<1000x128xf32>
    %add3A = arith.addf %dot_general3A_5, %dot_general3A_13 : vector<1000x128xf32>
    %get3A_14 = arith.constant 0 : index
    %get3A_15 = arith.constant 0 : index
    %get3A_16 = vector.load %arg5[%get3A_14, %get3A_15] : memref<1x128xf32, #tpu.memory_space<vmem>>, vector<1x128xf32>
    %add3A_17 = vector.broadcast %get3A_16 : vector<1x128xf32> to vector<1000x128xf32>
    %add3A_18 = arith.addf %add3A, %add3A_17 : vector<1000x128xf32>
    %swap3A = arith.constant 0 : index
    %swap3A_19 = arith.constant 0 : index
    %swap3A_20 = vector.load %arg6[%swap3A, %swap3A_19] : memref<1000x128xf32, #tpu.memory_space<vmem>>, vector<1000x128xf32>
    tpu.vector_store %arg6[%swap3A, %swap3A_19], %add3A_18 {strides = array<i32>} : memref<1000x128xf32, #tpu.memory_space<vmem>>, vector<1000x128xf32>,
    return
  }
  func.func @transform_0(%arg0: i32) -> (i32, i32) {
    %c0_i32 = arith.constant 0 : i32
    %c0_i32_0 = arith.constant 0 : i32
    return %arg0, %c0_i32 : i32, i32
  }
  func.func @transform_1(%arg0: i32) -> (i32, i32) {
    %c0_i32 = arith.constant 0 : i32
    %c0_i32_0 = arith.constant 0 : i32
    return %arg0, %c0_i32 : i32, i32
  }
  func.func @transform_2(%arg0: i32) -> (i32, i32) {
    %c0_i32 = arith.constant 0 : i32
    %c0_i32_0 = arith.constant 0 : i32
    %c0_i32_1 = arith.constant 0 : i32
    return %c0_i32, %c0_i32_0 : i32, i32
  }
  func.func @transform_3(%arg0: i32) -> (i32, i32) {
    %c0_i32 = arith.constant 0 : i32
    %c0_i32_0 = arith.constant 0 : i32
    %c0_i32_1 = arith.constant 0 : i32
    return %c0_i32, %c0_i32_0 : i32, i32
  }
  func.func @transform_4(%arg0: i32) -> (i32, i32) {
    %c0_i32 = arith.constant 0 : i32
    %c0_i32_0 = arith.constant 0 : i32
    %c0_i32_1 = arith.constant 0 : i32
    return %c0_i32, %c0_i32_0 : i32, i32
  }
  func.func @transform_5(%arg0: i32) -> (i32, i32) {
    %c0_i32 = arith.constant 0 : i32
    %c0_i32_0 = arith.constant 0 : i32
    return %arg0, %c0_i32 : i32, i32
  }
}

module attributes {stable_mosaic.version = 14 : i64} {
  func.func @_lambda_(%arg0: i32, %arg1: memref<1x1000x128xf32, #tpu.memory_space<vmem>>, %arg2: memref<1x1000x128xf32, #tpu.memory_space<vmem>>, %arg3: memref<1000x128xf32, #tpu.memory_space<vmem>>, %arg4: memref<1x1000x5xf32, #tpu.memory_space<vmem>>, %arg5: memref<1x1000x5xf32, #tpu.memory_space<vmem>>, %arg6: memref<5x128xf32, #tpu.memory_space<vmem>>, %arg7: memref<128x256xf32, #tpu.memory_space<vmem>>, %arg8: memref<1x256xf32, #tpu.memory_space<vmem>>, %arg9: memref<256x128xf32, #tpu.memory_space<vmem>>, %arg10: memref<1x128xf32, #tpu.memory_space<vmem>>, %arg11: memref<1000x128xf32, #tpu.memory_space<vmem>>) attributes {dimension_semantics = [#tpu.dimension_semantics<arbitrary>], iteration_bounds = array<i64: 10>, scalar_prefetch = 0 : i64, scratch_operands = 0 : i64, tpu.core_type = #tpu.core_type<tc>, window_params = [{transform_indices = @transform_0, window_bounds = array<i64: 1, 1000, 128>}, {transform_indices = @transform_1, window_bounds = array<i64: 1, 1000, 128>}, {transform_indices = @transform_2, window_bounds = array<i64: 1000, 128>}, {transform_indices = @transform_3, window_bounds = array<i64: 1, 1000, 5>}, {transform_indices = @transform_4, window_bounds = array<i64: 1, 1000, 5>}, {pipeline_mode = #tpu.pipeline_mode<synchronous>, transform_indices = @transform_5, window_bounds = array<i64: 5, 128>}, {pipeline_mode = #tpu.pipeline_mode<synchronous>, transform_indices = @transform_6, window_bounds = array<i64: 128, 256>}, {pipeline_mode = #tpu.pipeline_mode<synchronous>, transform_indices = @transform_7, window_bounds = array<i64: 1, 256>}, {pipeline_mode = #tpu.pipeline_mode<synchronous>, transform_indices = @transform_8, window_bounds = array<i64: 256, 128>}, {pipeline_mode = #tpu.pipeline_mode<synchronous>, transform_indices = @transform_9, window_bounds = array<i64: 1, 128>}, {transform_indices = @transform_10, window_bounds = array<i64: 1000, 128>}]} {
    %get3A = arith.constant 0 : index
    %get3A_0 = arith.constant 0 : index
    %get3A_1 = arith.constant 0 : index
    %get3A_2 = vector.load %arg1[%get3A, %get3A_0, %get3A_1] : memref<1x1000x128xf32, #tpu.memory_space<vmem>>, vector<1x1000x128xf32>
    %get3A_3 = vector.shape_cast %get3A_2 : vector<1x1000x128xf32> to vector<1000x128xf32>
    %get3A_4 = arith.constant 0 : index
    %get3A_5 = arith.constant 0 : index
    %get3A_6 = arith.constant 0 : index
    %get3A_7 = vector.load %arg2[%get3A_4, %get3A_5, %get3A_6] : memref<1x1000x128xf32, #tpu.memory_space<vmem>>, vector<1x1000x128xf32>
    %get3A_8 = vector.shape_cast %get3A_7 : vector<1x1000x128xf32> to vector<1000x128xf32>
    %add3A = arith.addf %get3A_3, %get3A_8 : vector<1000x128xf32>
    %get3A_9 = arith.constant 0 : index
    %get3A_10 = arith.constant 0 : index
    %get3A_11 = vector.load %arg3[%get3A_9, %get3A_10] : memref<1000x128xf32, #tpu.memory_space<vmem>>, vector<1000x128xf32>
    %add3A_12 = arith.addf %add3A, %get3A_11 : vector<1000x128xf32>
    %get3A_13 = arith.constant 0 : index
    %get3A_14 = arith.constant 0 : index
    %get3A_15 = arith.constant 0 : index
    %get3A_16 = vector.load %arg4[%get3A_13, %get3A_14, %get3A_15] : memref<1x1000x5xf32, #tpu.memory_space<vmem>>, vector<1x1000x5xf32>
    %get3A_17 = vector.shape_cast %get3A_16 : vector<1x1000x5xf32> to vector<1000x5xf32>
    %get3A_18 = arith.constant 0 : index
    %get3A_19 = arith.constant 0 : index
    %get3A_20 = arith.constant 0 : index
    %get3A_21 = vector.load %arg5[%get3A_18, %get3A_19, %get3A_20] : memref<1x1000x5xf32, #tpu.memory_space<vmem>>, vector<1x1000x5xf32>
    %get3A_22 = vector.shape_cast %get3A_21 : vector<1x1000x5xf32> to vector<1000x5xf32>
    %add3A_23 = arith.addf %get3A_17, %get3A_22 : vector<1000x5xf32>
    %get3A_24 = arith.constant 0 : index
    %get3A_25 = arith.constant 0 : index
    %get3A_26 = vector.load %arg6[%get3A_24, %get3A_25] : memref<5x128xf32, #tpu.memory_space<vmem>>, vector<5x128xf32>
    %dot_general3A = arith.constant dense<0.000000e+00> : vector<1000x128xf32>
    %dot_general3A_27 = tpu.matmul %add3A_23, %get3A_26, %dot_general3A {dimension_numbers = #tpu.dot_dimension_numbers<[1], [0], [0], [1], [0, 0, 1, 1], [], []>, transpose_lhs_hint = false} : vector<1000x5xf32>, vector<5x128xf32>, vector<1000x128xf32> -> vector<1000x128xf32>
    %add3A_28 = arith.addf %add3A_12, %dot_general3A_27 : vector<1000x128xf32>
    %get3A_29 = arith.constant 0 : index
    %get3A_30 = arith.constant 0 : index
    %get3A_31 = vector.load %arg7[%get3A_29, %get3A_30] : memref<128x256xf32, #tpu.memory_space<vmem>>, vector<128x256xf32>
    %dot_general3A_32 = arith.constant dense<0.000000e+00> : vector<1000x256xf32>
    %dot_general3A_33 = tpu.matmul %add3A_28, %get3A_31, %dot_general3A_32 {dimension_numbers = #tpu.dot_dimension_numbers<[1], [0], [0], [1], [0, 0, 1, 1], [], []>, transpose_lhs_hint = false} : vector<1000x128xf32>, vector<128x256xf32>, vector<1000x256xf32> -> vector<1000x256xf32>
    %get3A_34 = arith.constant 0 : index
    %get3A_35 = arith.constant 0 : index
    %get3A_36 = vector.load %arg8[%get3A_34, %get3A_35] : memref<1x256xf32, #tpu.memory_space<vmem>>, vector<1x256xf32>
    %add3A_37 = vector.broadcast %get3A_36 : vector<1x256xf32> to vector<1000x256xf32>
    %add3A_38 = arith.addf %dot_general3A_33, %add3A_37 : vector<1000x256xf32>
    %max3A = arith.constant 0.000000e+00 : f32
    %max3A_39 = vector.broadcast %max3A : f32 to vector<1000x256xf32>
    %max3A_40 = arith.maximumf %add3A_38, %max3A_39 : vector<1000x256xf32>
    %get3A_41 = arith.constant 0 : index
    %get3A_42 = arith.constant 0 : index
    %get3A_43 = vector.load %arg9[%get3A_41, %get3A_42] : memref<256x128xf32, #tpu.memory_space<vmem>>, vector<256x128xf32>
    %dot_general3A_44 = arith.constant dense<0.000000e+00> : vector<1000x128xf32>
    %dot_general3A_45 = tpu.matmul %max3A_40, %get3A_43, %dot_general3A_44 {dimension_numbers = #tpu.dot_dimension_numbers<[1], [0], [0], [1], [0, 0, 1, 1], [], []>, transpose_lhs_hint = false} : vector<1000x256xf32>, vector<256x128xf32>, vector<1000x128xf32> -> vector<1000x128xf32>
    %get3A_46 = arith.constant 0 : index
    %get3A_47 = arith.constant 0 : index
    %get3A_48 = vector.load %arg10[%get3A_46, %get3A_47] : memref<1x128xf32, #tpu.memory_space<vmem>>, vector<1x128xf32>
    %add3A_49 = vector.broadcast %get3A_48 : vector<1x128xf32> to vector<1000x128xf32>
    %add3A_50 = arith.addf %dot_general3A_45, %add3A_49 : vector<1000x128xf32>
    %max3A_51 = arith.constant 0.000000e+00 : f32
    %max3A_52 = vector.broadcast %max3A_51 : f32 to vector<1000x128xf32>
    %max3A_53 = arith.maximumf %add3A_50, %max3A_52 : vector<1000x128xf32>
    %swap3A = arith.constant 0 : index
    %swap3A_54 = arith.constant 0 : index
    %swap3A_55 = vector.load %arg11[%swap3A, %swap3A_54] : memref<1000x128xf32, #tpu.memory_space<vmem>>, vector<1000x128xf32>
    tpu.vector_store %arg11[%swap3A, %swap3A_54], %max3A_53 {strides = array<i32>} : memref<1000x128xf32, #tpu.memory_space<vmem>>, vector<1000x128xf32>,
    return
  }
  func.func @transform_0(%arg0: i32) -> (i32, i32, i32) {
    %c0_i32 = arith.constant 0 : i32
    %c0_i32_0 = arith.constant 0 : i32
    %c0_i32_1 = arith.constant 0 : i32
    return %c0_i32, %arg0, %c0_i32_0 : i32, i32, i32
  }
  func.func @transform_1(%arg0: i32) -> (i32, i32, i32) {
    %c1_i32 = arith.constant 1 : i32
    %c0_i32 = arith.constant 0 : i32
    %c0_i32_0 = arith.constant 0 : i32
    return %c1_i32, %arg0, %c0_i32 : i32, i32, i32
  }
  func.func @transform_2(%arg0: i32) -> (i32, i32) {
    %c0_i32 = arith.constant 0 : i32
    %c0_i32_0 = arith.constant 0 : i32
    return %arg0, %c0_i32 : i32, i32
  }
  func.func @transform_3(%arg0: i32) -> (i32, i32, i32) {
    %c0_i32 = arith.constant 0 : i32
    %c0_i32_0 = arith.constant 0 : i32
    %c0_i32_1 = arith.constant 0 : i32
    return %c0_i32, %arg0, %c0_i32_0 : i32, i32, i32
  }
  func.func @transform_4(%arg0: i32) -> (i32, i32, i32) {
    %c1_i32 = arith.constant 1 : i32
    %c0_i32 = arith.constant 0 : i32
    %c0_i32_0 = arith.constant 0 : i32
    return %c1_i32, %arg0, %c0_i32 : i32, i32, i32
  }
  func.func @transform_5(%arg0: i32) -> (i32, i32) {
    %c0_i32 = arith.constant 0 : i32
    %c0_i32_0 = arith.constant 0 : i32
    %c0_i32_1 = arith.constant 0 : i32
    return %c0_i32, %c0_i32_0 : i32, i32
  }
  func.func @transform_6(%arg0: i32) -> (i32, i32) {
    %c0_i32 = arith.constant 0 : i32
    %c0_i32_0 = arith.constant 0 : i32
    %c0_i32_1 = arith.constant 0 : i32
    return %c0_i32, %c0_i32_0 : i32, i32
  }
  func.func @transform_7(%arg0: i32) -> (i32, i32) {
    %c0_i32 = arith.constant 0 : i32
    %c0_i32_0 = arith.constant 0 : i32
    %c0_i32_1 = arith.constant 0 : i32
    return %c0_i32, %c0_i32_0 : i32, i32
  }
  func.func @transform_8(%arg0: i32) -> (i32, i32) {
    %c0_i32 = arith.constant 0 : i32
    %c0_i32_0 = arith.constant 0 : i32
    %c0_i32_1 = arith.constant 0 : i32
    return %c0_i32, %c0_i32_0 : i32, i32
  }
  func.func @transform_9(%arg0: i32) -> (i32, i32) {
    %c0_i32 = arith.constant 0 : i32
    %c0_i32_0 = arith.constant 0 : i32
    %c0_i32_1 = arith.constant 0 : i32
    return %c0_i32, %c0_i32_0 : i32, i32
  }
  func.func @transform_10(%arg0: i32) -> (i32, i32) {
    %c0_i32 = arith.constant 0 : i32
    %c0_i32_0 = arith.constant 0 : i32
    return %arg0, %c0_i32 : i32, i32
  }
}

module attributes {stable_mosaic.version = 14 : i64} {
  func.func @_lambda_(%arg0: i32, %arg1: memref<1x1000x128xf32, #tpu.memory_space<vmem>>, %arg2: memref<1x1000x128xf32, #tpu.memory_space<vmem>>, %arg3: memref<1000x128xf32, #tpu.memory_space<vmem>>, %arg4: memref<1x1000x5xf32, #tpu.memory_space<vmem>>, %arg5: memref<1x1000x5xf32, #tpu.memory_space<vmem>>, %arg6: memref<5x128xf32, #tpu.memory_space<vmem>>, %arg7: memref<128x256xf32, #tpu.memory_space<vmem>>, %arg8: memref<1x256xf32, #tpu.memory_space<vmem>>, %arg9: memref<256x128xf32, #tpu.memory_space<vmem>>, %arg10: memref<1x128xf32, #tpu.memory_space<vmem>>, %arg11: memref<1000x128xf32, #tpu.memory_space<vmem>>) attributes {dimension_semantics = [#tpu.dimension_semantics<arbitrary>], iteration_bounds = array<i64: 10>, scalar_prefetch = 0 : i64, scratch_operands = 0 : i64, tpu.core_type = #tpu.core_type<tc>, window_params = [{transform_indices = @transform_0, window_bounds = array<i64: 1, 1000, 128>}, {transform_indices = @transform_1, window_bounds = array<i64: 1, 1000, 128>}, {transform_indices = @transform_2, window_bounds = array<i64: 1000, 128>}, {transform_indices = @transform_3, window_bounds = array<i64: 1, 1000, 5>}, {transform_indices = @transform_4, window_bounds = array<i64: 1, 1000, 5>}, {pipeline_mode = #tpu.pipeline_mode<synchronous>, transform_indices = @transform_5, window_bounds = array<i64: 5, 128>}, {pipeline_mode = #tpu.pipeline_mode<synchronous>, transform_indices = @transform_6, window_bounds = array<i64: 128, 256>}, {pipeline_mode = #tpu.pipeline_mode<synchronous>, transform_indices = @transform_7, window_bounds = array<i64: 1, 256>}, {pipeline_mode = #tpu.pipeline_mode<synchronous>, transform_indices = @transform_8, window_bounds = array<i64: 256, 128>}, {pipeline_mode = #tpu.pipeline_mode<synchronous>, transform_indices = @transform_9, window_bounds = array<i64: 1, 128>}, {transform_indices = @transform_10, window_bounds = array<i64: 1000, 128>}]} {
    %get3A = arith.constant 0 : index
    %get3A_0 = arith.constant 0 : index
    %get3A_1 = arith.constant 0 : index
    %get3A_2 = vector.load %arg1[%get3A, %get3A_0, %get3A_1] : memref<1x1000x128xf32, #tpu.memory_space<vmem>>, vector<1x1000x128xf32>
    %get3A_3 = vector.shape_cast %get3A_2 : vector<1x1000x128xf32> to vector<1000x128xf32>
    %get3A_4 = arith.constant 0 : index
    %get3A_5 = arith.constant 0 : index
    %get3A_6 = arith.constant 0 : index
    %get3A_7 = vector.load %arg2[%get3A_4, %get3A_5, %get3A_6] : memref<1x1000x128xf32, #tpu.memory_space<vmem>>, vector<1x1000x128xf32>
    %get3A_8 = vector.shape_cast %get3A_7 : vector<1x1000x128xf32> to vector<1000x128xf32>
    %add3A = arith.addf %get3A_3, %get3A_8 : vector<1000x128xf32>
    %get3A_9 = arith.constant 0 : index
    %get3A_10 = arith.constant 0 : index
    %get3A_11 = vector.load %arg3[%get3A_9, %get3A_10] : memref<1000x128xf32, #tpu.memory_space<vmem>>, vector<1000x128xf32>
    %add3A_12 = arith.addf %add3A, %get3A_11 : vector<1000x128xf32>
    %get3A_13 = arith.constant 0 : index
    %get3A_14 = arith.constant 0 : index
    %get3A_15 = arith.constant 0 : index
    %get3A_16 = vector.load %arg4[%get3A_13, %get3A_14, %get3A_15] : memref<1x1000x5xf32, #tpu.memory_space<vmem>>, vector<1x1000x5xf32>
    %get3A_17 = vector.shape_cast %get3A_16 : vector<1x1000x5xf32> to vector<1000x5xf32>
    %get3A_18 = arith.constant 0 : index
    %get3A_19 = arith.constant 0 : index
    %get3A_20 = arith.constant 0 : index
    %get3A_21 = vector.load %arg5[%get3A_18, %get3A_19, %get3A_20] : memref<1x1000x5xf32, #tpu.memory_space<vmem>>, vector<1x1000x5xf32>
    %get3A_22 = vector.shape_cast %get3A_21 : vector<1x1000x5xf32> to vector<1000x5xf32>
    %add3A_23 = arith.addf %get3A_17, %get3A_22 : vector<1000x5xf32>
    %get3A_24 = arith.constant 0 : index
    %get3A_25 = arith.constant 0 : index
    %get3A_26 = vector.load %arg6[%get3A_24, %get3A_25] : memref<5x128xf32, #tpu.memory_space<vmem>>, vector<5x128xf32>
    %dot_general3A = arith.constant dense<0.000000e+00> : vector<1000x128xf32>
    %dot_general3A_27 = tpu.matmul %add3A_23, %get3A_26, %dot_general3A {dimension_numbers = #tpu.dot_dimension_numbers<[1], [0], [0], [1], [0, 0, 1, 1], [], []>, transpose_lhs_hint = false} : vector<1000x5xf32>, vector<5x128xf32>, vector<1000x128xf32> -> vector<1000x128xf32>
    %add3A_28 = arith.addf %add3A_12, %dot_general3A_27 : vector<1000x128xf32>
    %get3A_29 = arith.constant 0 : index
    %get3A_30 = arith.constant 0 : index
    %get3A_31 = vector.load %arg7[%get3A_29, %get3A_30] : memref<128x256xf32, #tpu.memory_space<vmem>>, vector<128x256xf32>
    %dot_general3A_32 = arith.constant dense<0.000000e+00> : vector<1000x256xf32>
    %dot_general3A_33 = tpu.matmul %add3A_28, %get3A_31, %dot_general3A_32 {dimension_numbers = #tpu.dot_dimension_numbers<[1], [0], [0], [1], [0, 0, 1, 1], [], []>, transpose_lhs_hint = false} : vector<1000x128xf32>, vector<128x256xf32>, vector<1000x256xf32> -> vector<1000x256xf32>
    %get3A_34 = arith.constant 0 : index
    %get3A_35 = arith.constant 0 : index
    %get3A_36 = vector.load %arg8[%get3A_34, %get3A_35] : memref<1x256xf32, #tpu.memory_space<vmem>>, vector<1x256xf32>
    %add3A_37 = vector.broadcast %get3A_36 : vector<1x256xf32> to vector<1000x256xf32>
    %add3A_38 = arith.addf %dot_general3A_33, %add3A_37 : vector<1000x256xf32>
    %max3A = arith.constant 0.000000e+00 : f32
    %max3A_39 = vector.broadcast %max3A : f32 to vector<1000x256xf32>
    %max3A_40 = arith.maximumf %add3A_38, %max3A_39 : vector<1000x256xf32>
    %get3A_41 = arith.constant 0 : index
    %get3A_42 = arith.constant 0 : index
    %get3A_43 = vector.load %arg9[%get3A_41, %get3A_42] : memref<256x128xf32, #tpu.memory_space<vmem>>, vector<256x128xf32>
    %dot_general3A_44 = arith.constant dense<0.000000e+00> : vector<1000x128xf32>
    %dot_general3A_45 = tpu.matmul %max3A_40, %get3A_43, %dot_general3A_44 {dimension_numbers = #tpu.dot_dimension_numbers<[1], [0], [0], [1], [0, 0, 1, 1], [], []>, transpose_lhs_hint = false} : vector<1000x256xf32>, vector<256x128xf32>, vector<1000x128xf32> -> vector<1000x128xf32>
    %get3A_46 = arith.constant 0 : index
    %get3A_47 = arith.constant 0 : index
    %get3A_48 = vector.load %arg10[%get3A_46, %get3A_47] : memref<1x128xf32, #tpu.memory_space<vmem>>, vector<1x128xf32>
    %add3A_49 = vector.broadcast %get3A_48 : vector<1x128xf32> to vector<1000x128xf32>
    %add3A_50 = arith.addf %dot_general3A_45, %add3A_49 : vector<1000x128xf32>
    %swap3A = arith.constant 0 : index
    %swap3A_51 = arith.constant 0 : index
    %swap3A_52 = vector.load %arg11[%swap3A, %swap3A_51] : memref<1000x128xf32, #tpu.memory_space<vmem>>, vector<1000x128xf32>
    tpu.vector_store %arg11[%swap3A, %swap3A_51], %add3A_50 {strides = array<i32>} : memref<1000x128xf32, #tpu.memory_space<vmem>>, vector<1000x128xf32>,
    return
  }
  func.func @transform_0(%arg0: i32) -> (i32, i32, i32) {
    %c0_i32 = arith.constant 0 : i32
    %c0_i32_0 = arith.constant 0 : i32
    %c0_i32_1 = arith.constant 0 : i32
    return %c0_i32, %arg0, %c0_i32_0 : i32, i32, i32
  }
  func.func @transform_1(%arg0: i32) -> (i32, i32, i32) {
    %c1_i32 = arith.constant 1 : i32
    %c0_i32 = arith.constant 0 : i32
    %c0_i32_0 = arith.constant 0 : i32
    return %c1_i32, %arg0, %c0_i32 : i32, i32, i32
  }
  func.func @transform_2(%arg0: i32) -> (i32, i32) {
    %c0_i32 = arith.constant 0 : i32
    %c0_i32_0 = arith.constant 0 : i32
    return %arg0, %c0_i32 : i32, i32
  }
  func.func @transform_3(%arg0: i32) -> (i32, i32, i32) {
    %c0_i32 = arith.constant 0 : i32
    %c0_i32_0 = arith.constant 0 : i32
    %c0_i32_1 = arith.constant 0 : i32
    return %c0_i32, %arg0, %c0_i32_0 : i32, i32, i32
  }
  func.func @transform_4(%arg0: i32) -> (i32, i32, i32) {
    %c1_i32 = arith.constant 1 : i32
    %c0_i32 = arith.constant 0 : i32
    %c0_i32_0 = arith.constant 0 : i32
    return %c1_i32, %arg0, %c0_i32 : i32, i32, i32
  }
  func.func @transform_5(%arg0: i32) -> (i32, i32) {
    %c0_i32 = arith.constant 0 : i32
    %c0_i32_0 = arith.constant 0 : i32
    %c0_i32_1 = arith.constant 0 : i32
    return %c0_i32, %c0_i32_0 : i32, i32
  }
  func.func @transform_6(%arg0: i32) -> (i32, i32) {
    %c0_i32 = arith.constant 0 : i32
    %c0_i32_0 = arith.constant 0 : i32
    %c0_i32_1 = arith.constant 0 : i32
    return %c0_i32, %c0_i32_0 : i32, i32
  }
  func.func @transform_7(%arg0: i32) -> (i32, i32) {
    %c0_i32 = arith.constant 0 : i32
    %c0_i32_0 = arith.constant 0 : i32
    %c0_i32_1 = arith.constant 0 : i32
    return %c0_i32, %c0_i32_0 : i32, i32
  }
  func.func @transform_8(%arg0: i32) -> (i32, i32) {
    %c0_i32 = arith.constant 0 : i32
    %c0_i32_0 = arith.constant 0 : i32
    %c0_i32_1 = arith.constant 0 : i32
    return %c0_i32, %c0_i32_0 : i32, i32
  }
  func.func @transform_9(%arg0: i32) -> (i32, i32) {
    %c0_i32 = arith.constant 0 : i32
    %c0_i32_0 = arith.constant 0 : i32
    %c0_i32_1 = arith.constant 0 : i32
    return %c0_i32, %c0_i32_0 : i32, i32
  }
  func.func @transform_10(%arg0: i32) -> (i32, i32) {
    %c0_i32 = arith.constant 0 : i32
    %c0_i32_0 = arith.constant 0 : i32
    return %arg0, %c0_i32 : i32, i32
  }
}

</mosaic_0001>

<sc_bundles>
// kernel: sc_edge_agg.4.cloned.1.call-start
scs
__scs_entry_jumppad:
0x0: {  	(pc) =	sbr.rel $0x88, $3  }
0x1: {  	(tag) =	ssettag $0x0;
	lr =	simm.s32 $0x1  }
0x2: {  	[smem:$0x3F91] =	sst lr;
	_ =	strace $0xD0000000  }
0x3: {  	_ = 	snop  }
0x4: {  	_ = 	snop  }
0x5: {  	_ = 	snop  }
0x6: {  	_ = 	snop  }
0x7: {  	_ = 	snop  }
__scs_overlays_trampoline_lowered:
0x8: {  	[smem:$0x3FA0] =	sst s0  }
0x9: {  	[smem:$0x3FA1] =	sst s1  }
0xa: {  	[smem:$0x3FA2] =	sst s2  }
0xb: {  	[smem:$0x3FA3] =	sst s3  }
0xc: {  	[smem:$0x3FA4] =	sst s4  }
0xd: {  	[smem:$0x3FA5] =	sst s5  }
0xe: {  	[smem:$0x3FA6] =	sst s6  }
0xf: {  	[smem:$0x3FA7] =	sst s7  }
0x10: {  	[smem:$0x3FA8] =	sst s8  }
0x11: {  	[smem:$0x3FA9] =	sst s9;
	s0 =	simm.s32 @!p0 $0x0  }
0x12: {  	s1 =	sld [smem:$0x3F8F];
	s0 =	simm.s32 @p0 $0x1  }
0x13: {  	[smem:$0x3FAA] =	sst s0;
	s0 =	simm.s32 @!p1 $0x0  }
0x14: {  	s2 =	sld [smem:$0x3F8E];
	s0 =	simm.s32 @p1 $0x1  }
0x15: {  	[smem:$0x3FAB] =	sst s0;
	s0 =	simm.s32 @!p2 $0x0  }
0x16: {  	s3 =	sld [smem:$0x3FDB];
	s0 =	simm.s32 @p2 $0x1  }
0x17: {  	s4 =	simm.s32 $0x1BF5;
	[smem:$0x3FAD] =	sst s0  }
0x18: {  	s0 =	sld [smem:$0x3F90];
	_ =	swait.ge [sflag:s4], $0x0  }
0x19: {  	s7 =	sld [smem:$0x3F91]  }
0x1a: {  	s8 =	sadd.s32 $0xFFFFE003, lr  }
0x1b: {  	s9 =	sadd.s32 $0xFFFFFEF7, lr;
	s5 =	simm.s32 $0xFFFFFFFF;
	p2 =	slt.u32 s8, $0xFFFFF086  }
0x1c: {  	p1 =	slt.u32 s9, $0xF7A;
	s5 =	simm.s32 @!p2 $0x0  }
0x1d: {  	s5 =	simm.s32 @p1 $0x1;
	p0 =	seq.s32 s7, s2  }
0x1e: {  	s7 =	smul.u32 @!p0 $0xF7A, s2;
	p2 =	seq.s32 @!p0 s5, $0x0  }
0x1f: {  	s9 =	smul.u32 $0xF7A, s1;
	s8 =	simm.s32 @!p0 $0x1BF5;
	p2 =	por !p2, p0  }
0x20: {  	[sflag:s8] =	ssyncset.s32 @!p0 $0xFFFFF086;
	s6 =	sadd.s32 @!p0 s3, s7;
	s7 =	simm.s32 @!p0 $0x108  }
0x21: {  	s3 =	sadd.s32 s3, s9;
	s6 =	sadd.s32 @!p0 $0x88, s6;
	s7 =	simm.s32 @p2 $0x1082  }
0x22: {  	[simem:s7], [sflag:s8] =	dma.local @!p0 [hbm:s6], $0xF7A  }
0x23: {  	s9 =	sor.u32 $0xD0000000, s2;
	s6 =	simm.s32 $0x108;
	_ =	swait.ge @!p0 [sflag:s8], $0x0  }
0x24: {  	s3 =	sadd.s32 $0x88, s3;
	s6 =	simm.s32 @!p1 $0x1082;
	[sflag:s4] =	ssyncset.s32 $0xFFFFF086  }
0x25: {  	[simem:s6], [sflag:s4] =	dma.local [hbm:s3], $0xF7A  }
0x26: {  	[smem:$0x3F91] =	sst s1;
	(tag) =	ssettag s2;
	_ =	strace s9  }
0x27: {  	s1 =	sld [smem:$0x3FA1]  }
0x28: {  	s2 =	sld [smem:$0x3FA2]  }
0x29: {  	s4 =	sld [smem:$0x3FA4]  }
0x2a: {  	p0 =	seq.s32 s5, $0x0;
	s5 =	sld [smem:$0x3FA5]  }
0x2b: {  	s6 =	sld [smem:$0x3FA6]  }
0x2c: {  	s7 =	sld [smem:$0x3FA7]  }
0x2d: {  	s3 =	simm.s32 $0x108;
	s8 =	sld [smem:$0x3FA8]  }
0x2e: {  	s3 =	simm.s32 @!p0 $0x1082;
	s9 =	sld [smem:$0x3FA9]  }
0x2f: {  	lr =	sadd.s32 s0, s3;
	s0 =	sld [smem:$0x3FA0]  }
0x30: {  	s3 =	sld [smem:$0x3FA3]  }
0x31: {  	[smem:$0x3FAC] =	sst s10  }
0x32: {  	s10 =	sld [smem:$0x3FAA];
	_ =	sdelay $0x3  }
0x33: {  	p0 =	seq.s32 s10, $0x1;
	s10 =	sld [smem:$0x3FAC];
	_ =	sdelay $0x3  }
0x34: {  	[smem:$0x3FAC] =	sst s10  }
0x35: {  	s10 =	sld [smem:$0x3FAB];
	_ =	sdelay $0x3  }
0x36: {  	p1 =	seq.s32 s10, $0x1;
	s10 =	sld [smem:$0x3FAC];
	_ =	sdelay $0x3  }
0x37: {  	[smem:$0x3FAC] =	sst s10  }
0x38: {  	s10 =	sld [smem:$0x3FAD]  }
0x39: {  	_ = 	snop;
	(pc) =	sbr.ind lr, $3  }
0x3a: {  	_ = 	snop  }
0x3b: {  	_ = 	snop  }
0x3c: {  	p2 =	seq.s32 s10, $0x1;
	s10 =	sld [smem:$0x3FAC]  }
0x3d: {  	_ =	shalt  }
0x3e: {  	_ =	shalt  }
0x3f: {  	_ =	shalt  }
0x40: {  	_ =	shalt  }
0x41: {  	_ =	shalt  }
0x42: {  	_ =	shalt  }
0x43: {  	_ =	shalt  }
0x44: {  	_ =	shalt  }
0x45: {  	_ =	shalt  }
0x46: {  	_ =	shalt  }
0x47: {  	_ =	shalt  }
0x48: {  	_ =	shalt  }
0x49: {  	_ =	shalt  }
0x4a: {  	_ =	shalt  }
0x4b: {  	_ =	shalt  }
0x4c: {  	_ =	shalt  }
0x4d: {  	_ =	shalt  }
0x4e: {  	_ =	shalt  }
0x4f: {  	_ =	shalt  }
0x50: {  	_ =	shalt  }
0x51: {  	_ =	shalt  }
0x52: {  	_ =	shalt  }
0x53: {  	_ =	shalt  }
0x54: {  	_ =	shalt  }
0x55: {  	_ =	shalt  }
0x56: {  	_ =	shalt  }
0x57: {  	_ =	shalt  }
0x58: {  	_ =	shalt  }
0x59: {  	_ =	shalt  }
0x5a: {  	_ =	shalt  }
0x5b: {  	_ =	shalt  }
0x5c: {  	_ =	shalt  }
0x5d: {  	_ =	shalt  }
0x5e: {  	_ =	shalt  }
0x5f: {  	_ =	shalt  }
0x60: {  	_ =	shalt  }
0x61: {  	_ =	shalt  }
0x62: {  	_ =	shalt  }
0x63: {  	_ =	shalt  }
0x64: {  	_ =	shalt  }
0x65: {  	_ =	shalt  }
0x66: {  	_ =	shalt  }
0x67: {  	_ =	shalt  }
0x68: {  	_ =	shalt  }
0x69: {  	_ =	shalt  }
0x6a: {  	_ =	shalt  }
0x6b: {  	_ =	shalt  }
0x6c: {  	_ =	shalt  }
0x6d: {  	_ =	shalt  }
0x6e: {  	_ =	shalt  }
0x6f: {  	_ =	shalt  }
0x70: {  	_ =	shalt  }
0x71: {  	_ =	shalt  }
0x72: {  	_ =	shalt  }
0x73: {  	_ =	shalt  }
0x74: {  	_ =	shalt  }
0x75: {  	_ =	shalt  }
0x76: {  	_ =	shalt  }
0x77: {  	_ =	shalt  }
0x78: {  	_ =	shalt  }
0x79: {  	_ =	shalt  }
0x7a: {  	_ =	shalt  }
0x7b: {  	_ =	shalt  }
0x7c: {  	_ =	shalt  }
0x7d: {  	_ =	shalt  }
0x7e: {  	_ =	shalt  }
0x7f: {  	_ =	shalt  }
0x80: {  	_ =	shalt  }
0x81: {  	_ =	shalt  }
0x82: {  	_ =	shalt  }
0x83: {  	_ =	shalt  }
0x84: {  	_ =	shalt  }
0x85: {  	_ =	shalt  }
0x86: {  	_ =	shalt  }
0x87: {  	_ =	shalt  }
.Lfunc_end0:
.L_simem_size_0:
called_computation.1_lowered:
.L_overlay_start_0:
0x88: {  	s2 =	sld [smem:$0x3FD9]  }
0x89: {  	s3 =	sld [smem:$0x3FFE];
	_ =	sdelay $0x1  }
0x8a: {  	s1 =	srdreg.scid  }
0x8b: {  	s0 =	sand.u32 $0x1, s1  }
0x8c: {  	s17 =	sshll.u32 s0, $0xA;
	s2 =	sadd.s32 s3, s2  }
0x8d: {  	s2 =	sadd.s32 s2, s17  }
0x8e: {  	[smem:$0x3FB8] =	sst s2  }
0x8f: {  	_ = 	snop  }
0x90: {  	s18 =	sld [smem:$0x3FD0];
	(tm) =	ssettm $0x1  }
0x91: {  	s19 =	sld [smem:$0x3FFB];
	_ =	sdelay $0x3  }
0x92: {  	_ =	strace s19  }
0x93: {  	s2 =	sld [smem:$0x3FFC];
	_ =	sdelay $0x3  }
0x94: {  	_ =	strace s2  }
0x95: {  	s2 =	sld [smem:$0x3FFD];
	_ =	sdelay $0x3  }
0x96: {  	_ =	strace s2  }
0x97: {  	_ =	strace $0x8FFFFFFF  }
0x98: {  	s20 =	sld [smem:$0x3FDB];
	_ =	sdelay $0x1  }
0x99: {  	s4 =	simm.s32 $_scs_section_size  }
0x9a: {  	s5 =	simm.s32 $_size__tile_overlayer_lowered;
	s6 =	simm.s32 $_tile_overlayer_lowered  }
0x9b: {  	s7 =	simm.s32 $0x1BFF;
	s21 =	sshll.u32 s6, $0x1;
	s4 =	sadd.s32 s4, s20  }
0x9c: {  	s22 =	simm.s32 $0x0;
	s5 =	sshll.u32 s5, $0x1;
	s6 =	sadd.s32 s21, s4  }
0x9d: {  	[timem:s22], [sflag:s7] =	dma.local [hbm:s6], s5  }
0x9e: {  	_ =	swait.ge [sflag:s7], s5  }
0x9f: {  	s5 =	ssub.s32 $0x0, s5;
	[sflag:s7] =	ssyncset.done $0x0  }
0xa0: {  	[sflag:s7] =	ssyncadd.s32 s5;
	_ =	sdelay $0x1  }
0xa1: {  	s23 =	simm.s32 $0x1B8B  }
0xa2: {  	_ =	swait.ge [sflag:s23], $0x1  }
0xa3: {  	[sflag:s23] =	ssyncset.done $0x0  }
0xa4: {  	[sflag:s23] =	ssyncadd.s32 $0xFFFFFFFF  }
0xa5: {  	s5 =	sld [smem:$0x0]  }
0xa6: {  	s6 =	sand.u32 $0xFFFFFFFE, s1  }
0xa7: {  	p0 =	sne.s32 s1, s6  }
0xa8: {  	s6 =	sshll.u32 @p0 s6, $0xE  }
0xa9: {  	s6 =	sadd.s32 @p0 $0x11B8D, s6;
	s7 =	sshll.u32 @p0 s5, $0x11  }
0xaa: {  	s6 =	sor.u32 @p0 s7, s6  }
0xab: {  	[sflag:s6] =	ssyncadd.remote.s32 @p0 $0x1;
	_ =	sdelay $0x1  }
0xac: {  	s6 =	simm.s32 @p0 $0x1B8D  }
0xad: {  	_ =	swait.eq @p0 [sflag:s6], $0x1  }
0xae: {  	[sflag:s6] =	ssyncadd.s32 @p0 $0xFFFFFFFF  }
0xaf: {  	s7 =	sshll.u32 @!p0 s1, $0xE  }
0xb0: {  	s7 =	sor.u32 @!p0 $0x4000, s7;
	s6 =	simm.s32 @!p0 $0x1B8D  }
0xb1: {  	s5 =	sshll.u32 @!p0 s5, $0x11;
	s7 =	sadd.s32 @!p0 $0x11B8D, s7;
	_ =	swait.eq @!p0 [sflag:s6], $0x1  }
0xb2: {  	s5 =	sor.u32 @!p0 s5, s7;
	[sflag:s6] =	ssyncadd.s32 @!p0 $0xFFFFFFFF  }
0xb3: {  	s25 =	simm.s32 $0x1B8E;
	s24 =	sld [smem:$0x3FFE];
	[sflag:s5] =	ssyncadd.remote.s32 @!p0 $0x1  }
0xb4: {  	s26 =	simm.s32 $execute0_lowered;
	[smem:$0x3FD2] =	sst s25  }
0xb5: {  	s6 =	sshll.u32 s26, $0x1;
	_ =	strace $0x80000049;
	[dreg:$0x1] =	wrdreg $0xFFFFFFFF  }
0xb6: {  	s28 =	simm.s32 $_size_execute0_lowered;
	s4 =	sadd.s32 s4, s6;
	[dreg:$0x0] =	wrdreg $0x0  }
0xb7: {  	s6 =	sshll.u32 s28, $0x1;
	[dreg:$0x2] =	wrdreg s4  }
0xb8: {  	[dreg:$0x3] =	wrdreg s6  }
0xb9: {  	[dreg:$0x4] =	wrdreg $0xC0  }
0xba: {  	_ =	task [dreg:s22], $0x5FFFF  }
0xbb: {  	[dreg:$0x1] =	wrdreg $0xFFFFFFFF  }
0xbc: {  	[dreg:$0x0] =	wrdreg $0x60  }
0xbd: {  	[dreg:$0x2] =	wrdreg s18  }
0xbe: {  	[dreg:$0x3] =	wrdreg s24  }
0xbf: {  	[dreg:$0x4] =	wrdreg $0x90000  }
0xc0: {  	[dreg:$0x5] =	wrdreg $0xA  }
0xc1: {  	_ =	task.clear_ibuf [dreg:s22], $0x6FFFF;
	_ =	strace $0x90000049  }
0xc2: {  	s29 =	simm.s32 $0xA;
	_ =	strace $0x8000004B  }
0xc3: {  	_ =	swait.ge [sflag:s29], $0x1  }
0xc4: {  	[sflag:s29] =	ssyncadd.s32 $0xFFFFFFFF  }
0xc5: {  	_ =	strace $0x9000004B  }
0xc6: {  	_ =	sfence  }
0xc7: {  	s30 =	sld [smem:$0x0];
	_ =	sdelay $0x2  }
0xc8: {  	s31 =	sshll.u32 s1, $0xD;
	s1 =	sshrl.u32 s1, $0x2  }
0xc9: {  	s4 =	sand.u32 $0x4000, s31;
	s1 =	sadd.s32 s1, s30  }
0xca: {  	s0 =	sor.u32 s4, s0;
	s1 =	sshll.u32 s1, $0x11  }
0xcb: {  	s0 =	sor.u32 s1, s0  }
0xcc: {  	s0 =	sadd.s32 $0x8F2B, s0  }
0xcd: {  	[sflag:s0] =	ssyncadd.remote.s32 $0x1  }
0xce: {  	_ =	sfence.sel $0xFFFF  }
0xcf: {  	[dreg:$0x0] =	wrdreg $0xFFFFFFFF;
	(pc) =	sbr.abs _section_cstart, $3  }
0xd0: {  	[dreg:$0x1] =	wrdreg $0xFFFFFFFF  }
0xd1: {  	_ =	task.clear_ibuf [dreg:s22], $0x2FFFF;
	_ =	strace $0x9FFFFFFF  }
0xd2: {  	(tm) =	ssettm $0x7FFFFFFF  }
0xd3: {  	_ =	shalt  }
tec
execute0_lowered:
.L_overlay_start_1:
0x0: {  	(tag) =	ssettag $0x1  }
0x1: {  	s1 =	rddreg [dreg:$0x0]  }
0x2: {  	s2 =	srdreg.scid;
	s5 =	rddreg [dreg:$0x1]  }
0x3: {  	s0 =	stileid.u32;
	s3 =	rddreg [dreg:$0x2];
	s4 =	simm.s32 $0x0  }
0x4: {  	s14 =	simm.s32 $0x5000;
	s15 =	simm.s32 $0x1;
	s6 =	sand.u32 $0x1, s2  }
0x5: {  	s26 =	sshll.u32 s0, $0x1;
	s2 =	rddreg [dreg:$0x3];
	s16 =	smul.u32 $0x2800, s0  }
0x6: {  	[smem:$0x7FF] =	sst s4;
	s28 =	smul.u32 $0x50000, s0;
	s31 =	sshll.u32 s0, $0x6  }
0x7: {  	s7 =	sor.u32 s6, s26;
	_ =	strace $0x8000004A;
	s8 =	smul.u32 $0x28000, s6  }
0x8: {  	s6 =	ssub.s32 $0x2, s6;
	s7 =	smul.u32 $0x500, s7;
	s10 =	sadd.s32 s16, s5  }
0x9: {  	s29 =	sshrl.u32 s6, $0x1;
	s30 =	sshrl.u32 s28, $0x2;
	s11 =	sadd.s32 s8, s5  }
0xa: {  	s12 =	ssub.s32 s6, s29;
	s13 =	sadd.s32 s30, s3;
	s6 =	sor.u32 $0x1C02, s31  }
0xb: {  	s9 =	sadd.s32 s7, s5;
	s5 =	sadd.s32 $0x25E00, s10;
	s17 =	sadd.s32 $0x4DE00, s11  }
0xc: {  	s10 =	sshrl.u32 s13, $0x3;
	s11 =	simm.s32 $0x2;
	s13 =	simm.s32 $0x7D  }
0xd: {  	s7 =	sadd.s32 $0x1BE00, s9;
	s8 =	sadd.s32 $0x3000, s9;
	s9 =	smax.u32 s12, $0x1  }
0xe: {  	s12 =	simm.s32 $0x2800;
	s16 =	sadd.s32 s16, s17;
	s17 =	simm.s32 $0x0  }
.LBB2_1:
0xf: {  	[spmem:s10], [sflag:s6] =	dma.local [hbm:s5], $0x2800  }
0x10: {  	_ =	swait.ge [sflag:s11], $0x2800  }
0x11: {  	[sflag:s11] =	ssyncset.done $0x0  }
0x12: {  	[sflag:s11] =	ssyncadd.s32 $0xFFFFD800  }
0x13: {  	[tilespmem:s4], [sflag:$0x2] =	stream.linear.gather [hbm4b:s7+s4], $0x2800, $0x38;
	[tilespmem:$0x1D000] =	vst v63  }
0x14: {  	_ =	swait.ge [sflag:s11], $0x2800  }
0x15: {  	[sflag:s11] =	ssyncset.done $0x0  }
0x16: {  	[sflag:s11] =	ssyncadd.s32 $0xFFFFD800  }
0x17: {  	[tilespmem:s12], [sflag:$0x2] =	stream.linear.gather [hbm4b:s8+s4], $0x2800, $0x38;
	[tilespmem:$0x1D000] =	vst v63  }
0x18: {  	_ =	swait.ge [sflag:s11], $0x2800  }
0x19: {  	[sflag:s11] =	ssyncset.done $0x0  }
0x1a: {  	[sflag:s11] =	ssyncadd.s32 $0xFFFFD800  }
0x1b: {  	s18 =	simm.s32 $0x0;
	[bflag:$0x0] =	sbarrier.arrive $0xFFFF  }
0x1c: {  	[tilespmem:s14], [sflag:$0x1] =	stream.indirect.gather [hbm4b:s1+s13], $0x80, s18, s13, $0xb8;
	[tilespmem:$0x1D000] =	vst v63  }
0x1d: {  	_ =	swait.ge [sflag:s15], $0x3E80  }
0x1e: {  	[sflag:s15] =	ssyncset.done $0x0  }
0x1f: {  	s31 =	simm.s32 $0x2800;
	[sflag:s15] =	ssyncadd.s32 $0xFFFFC180  }
0x20: {  	[spmem:s3] =	stream.indirect.scatter.add.f32 [tilespmem:s14], [sflag:$0x2], $0x80, s31, s13, $0xb8;
	[tilespmem:$0x1D000] =	vst v63  }
0x21: {  	_ =	swait.ge [sflag:s11], $0x3E80  }
0x22: {  	s19 =	simm.s32 $0x400;
	s18 =	simm.s32 $0x200;
	[sflag:s11] =	ssyncset.done $0x0  }
.LBB2_2:
0x23: {  	s20 =	sshra.s32 s18, $0x2  }
0x24: {  	[sflag:s11] =	ssyncadd.s32 $0xFFFFC180;
	s18 =	smov.u32 s19;
	s21 =	sadd.s32 $0x200, s19  }
0x25: {  	[tilespmem:s14], [sflag:$0x1] =	stream.indirect.gather [hbm4b:s1+s13], $0x80, s20, s13, $0xb8;
	[tilespmem:$0x1D000] =	vst v63  }
0x26: {  	p0 =	sne.s32 s19, $0x9E00;
	_ =	swait.ge [sflag:s15], $0x3E80  }
.Ltmp0:
0x27: {  	[sflag:s15] =	ssyncset.done $0x0;
	(pc) =	sbr.rel @p0 .LBB2_2-.Ltmp0, $4  }
0x28: {  	s19 =	sadd.s32 $0x2800, s20;
	[sflag:s15] =	ssyncadd.s32 $0xFFFFC180  }
0x29: {  	[spmem:s3] =	stream.indirect.scatter.add.f32 [tilespmem:s14], [sflag:$0x2], $0x80, s19, s13, $0xb8;
	[tilespmem:$0x1D000] =	vst v63  }
0x2a: {  	_ =	swait.ge [sflag:s11], $0x3E80  }
0x2b: {  	s19 =	smov.u32 s21;
	[sflag:s11] =	ssyncset.done $0x0  }
0x2c: {  	s18 =	sshra.s32 s18, $0x2;
	[sflag:s11] =	ssyncadd.s32 $0xFFFFC180  }
0x2d: {  	[tilespmem:s14], [sflag:$0x1] =	stream.indirect.gather [hbm4b:s1+s13], $0x80, s18, s13, $0xb8;
	[tilespmem:$0x1D000] =	vst v63  }
0x2e: {  	_ =	swait.ge [sflag:s15], $0x3E80  }
0x2f: {  	[sflag:s15] =	ssyncset.done $0x0  }
0x30: {  	s18 =	sadd.s32 $0x2800, s18;
	[sflag:s15] =	ssyncadd.s32 $0xFFFFC180  }
0x31: {  	[spmem:s3] =	stream.indirect.scatter.add.f32 [tilespmem:s14], [sflag:$0x2], $0x80, s18, s13, $0xb8;
	[tilespmem:$0x1D000] =	vst v63  }
0x32: {  	_ =	swait.ge [sflag:s11], $0x3E80  }
0x33: {  	s17 =	sadd.s32 $0x1, s17;
	[sflag:s11] =	ssyncset.done $0x0  }
0x34: {  	p0 =	sne.s32 s17, s9;
	[sflag:s11] =	ssyncadd.s32 $0xFFFFC180  }
.Ltmp1:
0x35: {  	[bflag:$0x0] =	sbarrier.arrive $0xFFFF;
	(pc) =	sbr.rel @p0 .LBB2_1-.Ltmp1, $4  }
0x36: {  	[hbm:s16], [sflag:s6] =	dma.local [spmem:s10], $0x2800  }
0x37: {  	_ =	swait.ge [sflag:s11], $0x2800  }
0x38: {  	[sflag:s11] =	ssyncset.done $0x0  }
0x39: {  	[sflag:s11] =	ssyncadd.s32 $0xFFFFD800  }
0x3a: {  	_ =	sfence.sel $0x180000  }
0x3b: {  	[bflag:$0x0] =	sbarrier.arrive $0xFFFF  }
0x3c: {  	p0 =	sne.s32 s0, $0x0;
	_ =	strace $0x9000004A  }
0x3d: {  	s0 =	sadd.s32 @!p0 $0x100000, s2;
	[bflag:$0x2] =	sbarrier.arrive $0xFFFF  }
0x3e: {  	[sflag:s0] =	ssyncadd.tile.s32 @!p0 $0x1;
	_ =	shalt  }
.Lfunc_end2:
_tile_overlayer_lowered:
.L_overlay_start_2:
0x3f: {  	(tag) =	ssettag $0x2  }
0x40: {  	s0 =	rddreg [dreg:$0x0];
	s2 =	stileid.u32  }
0x41: {  	s1 =	rddreg [dreg:$0x1];
	p0 =	sne.s32 s2, $0x0  }
0x42: {  	s3 =	rddreg [dreg:$0x2];
	[bflag:$0x3] =	sbarrier.arrive $0xFFFF;
	s2 =	simm.s32 @!p0 $0x1C02  }
0x43: {  	[timem:s3], [sflag:s2] =	dma.local @!p0 [hbm:s0], s1  }
0x44: {  	s0 =	simm.s32 @!p0 $0x2  }
0x45: {  	_ =	swait.ge @!p0 [sflag:s0], s1  }
0x46: {  	s1 =	ssub.s32 @!p0 $0x0, s1;
	[sflag:s0] =	ssyncset.done @!p0 $0x0  }
0x47: {  	[sflag:s0] =	ssyncadd.s32 @!p0 s1  }
0x48: {  	[bflag:$0x3] =	sbarrier.arrive $0xFFFF  }
0x49: {  	_ =	shalt  }

// kernel: sc_edge_agg.7.cloned.1.call-start
scs
__scs_entry_jumppad:
0x0: {  	(pc) =	sbr.rel $0x88, $3  }
0x1: {  	(tag) =	ssettag $0x0;
	lr =	simm.s32 $0x1  }
0x2: {  	[smem:$0x3F91] =	sst lr;
	_ =	strace $0xD0000000  }
0x3: {  	_ = 	snop  }
0x4: {  	_ = 	snop  }
0x5: {  	_ = 	snop  }
0x6: {  	_ = 	snop  }
0x7: {  	_ = 	snop  }
__scs_overlays_trampoline_lowered:
0x8: {  	[smem:$0x3FA0] =	sst s0  }
0x9: {  	[smem:$0x3FA1] =	sst s1  }
0xa: {  	[smem:$0x3FA2] =	sst s2  }
0xb: {  	[smem:$0x3FA3] =	sst s3  }
0xc: {  	[smem:$0x3FA4] =	sst s4  }
0xd: {  	[smem:$0x3FA5] =	sst s5  }
0xe: {  	[smem:$0x3FA6] =	sst s6  }
0xf: {  	[smem:$0x3FA7] =	sst s7  }
0x10: {  	[smem:$0x3FA8] =	sst s8  }
0x11: {  	[smem:$0x3FA9] =	sst s9;
	s0 =	simm.s32 @!p0 $0x0  }
0x12: {  	s1 =	sld [smem:$0x3F8F];
	s0 =	simm.s32 @p0 $0x1  }
0x13: {  	[smem:$0x3FAA] =	sst s0;
	s0 =	simm.s32 @!p1 $0x0  }
0x14: {  	s2 =	sld [smem:$0x3F8E];
	s0 =	simm.s32 @p1 $0x1  }
0x15: {  	[smem:$0x3FAB] =	sst s0;
	s0 =	simm.s32 @!p2 $0x0  }
0x16: {  	s3 =	sld [smem:$0x3FDB];
	s0 =	simm.s32 @p2 $0x1  }
0x17: {  	s4 =	simm.s32 $0x1BF5;
	[smem:$0x3FAD] =	sst s0  }
0x18: {  	s0 =	sld [smem:$0x3F90];
	_ =	swait.ge [sflag:s4], $0x0  }
0x19: {  	s7 =	sld [smem:$0x3F91]  }
0x1a: {  	s8 =	sadd.s32 $0xFFFFE003, lr  }
0x1b: {  	s9 =	sadd.s32 $0xFFFFFEF7, lr;
	s5 =	simm.s32 $0xFFFFFFFF;
	p2 =	slt.u32 s8, $0xFFFFF086  }
0x1c: {  	p1 =	slt.u32 s9, $0xF7A;
	s5 =	simm.s32 @!p2 $0x0  }
0x1d: {  	s5 =	simm.s32 @p1 $0x1;
	p0 =	seq.s32 s7, s2  }
0x1e: {  	s7 =	smul.u32 @!p0 $0xF7A, s2;
	p2 =	seq.s32 @!p0 s5, $0x0  }
0x1f: {  	s9 =	smul.u32 $0xF7A, s1;
	s8 =	simm.s32 @!p0 $0x1BF5;
	p2 =	por !p2, p0  }
0x20: {  	[sflag:s8] =	ssyncset.s32 @!p0 $0xFFFFF086;
	s6 =	sadd.s32 @!p0 s3, s7;
	s7 =	simm.s32 @!p0 $0x108  }
0x21: {  	s3 =	sadd.s32 s3, s9;
	s6 =	sadd.s32 @!p0 $0x88, s6;
	s7 =	simm.s32 @p2 $0x1082  }
0x22: {  	[simem:s7], [sflag:s8] =	dma.local @!p0 [hbm:s6], $0xF7A  }
0x23: {  	s9 =	sor.u32 $0xD0000000, s2;
	s6 =	simm.s32 $0x108;
	_ =	swait.ge @!p0 [sflag:s8], $0x0  }
0x24: {  	s3 =	sadd.s32 $0x88, s3;
	s6 =	simm.s32 @!p1 $0x1082;
	[sflag:s4] =	ssyncset.s32 $0xFFFFF086  }
0x25: {  	[simem:s6], [sflag:s4] =	dma.local [hbm:s3], $0xF7A  }
0x26: {  	[smem:$0x3F91] =	sst s1;
	(tag) =	ssettag s2;
	_ =	strace s9  }
0x27: {  	s1 =	sld [smem:$0x3FA1]  }
0x28: {  	s2 =	sld [smem:$0x3FA2]  }
0x29: {  	s4 =	sld [smem:$0x3FA4]  }
0x2a: {  	p0 =	seq.s32 s5, $0x0;
	s5 =	sld [smem:$0x3FA5]  }
0x2b: {  	s6 =	sld [smem:$0x3FA6]  }
0x2c: {  	s7 =	sld [smem:$0x3FA7]  }
0x2d: {  	s3 =	simm.s32 $0x108;
	s8 =	sld [smem:$0x3FA8]  }
0x2e: {  	s3 =	simm.s32 @!p0 $0x1082;
	s9 =	sld [smem:$0x3FA9]  }
0x2f: {  	lr =	sadd.s32 s0, s3;
	s0 =	sld [smem:$0x3FA0]  }
0x30: {  	s3 =	sld [smem:$0x3FA3]  }
0x31: {  	[smem:$0x3FAC] =	sst s10  }
0x32: {  	s10 =	sld [smem:$0x3FAA];
	_ =	sdelay $0x3  }
0x33: {  	p0 =	seq.s32 s10, $0x1;
	s10 =	sld [smem:$0x3FAC];
	_ =	sdelay $0x3  }
0x34: {  	[smem:$0x3FAC] =	sst s10  }
0x35: {  	s10 =	sld [smem:$0x3FAB];
	_ =	sdelay $0x3  }
0x36: {  	p1 =	seq.s32 s10, $0x1;
	s10 =	sld [smem:$0x3FAC];
	_ =	sdelay $0x3  }
0x37: {  	[smem:$0x3FAC] =	sst s10  }
0x38: {  	s10 =	sld [smem:$0x3FAD]  }
0x39: {  	_ = 	snop;
	(pc) =	sbr.ind lr, $3  }
0x3a: {  	_ = 	snop  }
0x3b: {  	_ = 	snop  }
0x3c: {  	p2 =	seq.s32 s10, $0x1;
	s10 =	sld [smem:$0x3FAC]  }
0x3d: {  	_ =	shalt  }
0x3e: {  	_ =	shalt  }
0x3f: {  	_ =	shalt  }
0x40: {  	_ =	shalt  }
0x41: {  	_ =	shalt  }
0x42: {  	_ =	shalt  }
0x43: {  	_ =	shalt  }
0x44: {  	_ =	shalt  }
0x45: {  	_ =	shalt  }
0x46: {  	_ =	shalt  }
0x47: {  	_ =	shalt  }
0x48: {  	_ =	shalt  }
0x49: {  	_ =	shalt  }
0x4a: {  	_ =	shalt  }
0x4b: {  	_ =	shalt  }
0x4c: {  	_ =	shalt  }
0x4d: {  	_ =	shalt  }
0x4e: {  	_ =	shalt  }
0x4f: {  	_ =	shalt  }
0x50: {  	_ =	shalt  }
0x51: {  	_ =	shalt  }
0x52: {  	_ =	shalt  }
0x53: {  	_ =	shalt  }
0x54: {  	_ =	shalt  }
0x55: {  	_ =	shalt  }
0x56: {  	_ =	shalt  }
0x57: {  	_ =	shalt  }
0x58: {  	_ =	shalt  }
0x59: {  	_ =	shalt  }
0x5a: {  	_ =	shalt  }
0x5b: {  	_ =	shalt  }
0x5c: {  	_ =	shalt  }
0x5d: {  	_ =	shalt  }
0x5e: {  	_ =	shalt  }
0x5f: {  	_ =	shalt  }
0x60: {  	_ =	shalt  }
0x61: {  	_ =	shalt  }
0x62: {  	_ =	shalt  }
0x63: {  	_ =	shalt  }
0x64: {  	_ =	shalt  }
0x65: {  	_ =	shalt  }
0x66: {  	_ =	shalt  }
0x67: {  	_ =	shalt  }
0x68: {  	_ =	shalt  }
0x69: {  	_ =	shalt  }
0x6a: {  	_ =	shalt  }
0x6b: {  	_ =	shalt  }
0x6c: {  	_ =	shalt  }
0x6d: {  	_ =	shalt  }
0x6e: {  	_ =	shalt  }
0x6f: {  	_ =	shalt  }
0x70: {  	_ =	shalt  }
0x71: {  	_ =	shalt  }
0x72: {  	_ =	shalt  }
0x73: {  	_ =	shalt  }
0x74: {  	_ =	shalt  }
0x75: {  	_ =	shalt  }
0x76: {  	_ =	shalt  }
0x77: {  	_ =	shalt  }
0x78: {  	_ =	shalt  }
0x79: {  	_ =	shalt  }
0x7a: {  	_ =	shalt  }
0x7b: {  	_ =	shalt  }
0x7c: {  	_ =	shalt  }
0x7d: {  	_ =	shalt  }
0x7e: {  	_ =	shalt  }
0x7f: {  	_ =	shalt  }
0x80: {  	_ =	shalt  }
0x81: {  	_ =	shalt  }
0x82: {  	_ =	shalt  }
0x83: {  	_ =	shalt  }
0x84: {  	_ =	shalt  }
0x85: {  	_ =	shalt  }
0x86: {  	_ =	shalt  }
0x87: {  	_ =	shalt  }
.Lfunc_end0:
.L_simem_size_0:
called_computation.2_lowered:
.L_overlay_start_0:
0x88: {  	s2 =	sld [smem:$0x3FD9]  }
0x89: {  	s3 =	sld [smem:$0x3FFE];
	_ =	sdelay $0x1  }
0x8a: {  	s1 =	srdreg.scid  }
0x8b: {  	s0 =	sand.u32 $0x1, s1  }
0x8c: {  	s17 =	sshll.u32 s0, $0xA;
	s2 =	sadd.s32 s3, s2  }
0x8d: {  	s2 =	sadd.s32 s2, s17  }
0x8e: {  	[smem:$0x3FB8] =	sst s2  }
0x8f: {  	_ = 	snop  }
0x90: {  	s2 =	sld [smem:$0x3FD0];
	(tm) =	ssettm $0x1  }
0x91: {  	s18 =	sld [smem:$0x3FFB];
	_ =	sdelay $0x3  }
0x92: {  	_ =	strace s18  }
0x93: {  	s3 =	sld [smem:$0x3FFC];
	_ =	sdelay $0x3  }
0x94: {  	_ =	strace s3  }
0x95: {  	s3 =	sld [smem:$0x3FFD];
	_ =	sdelay $0x3  }
0x96: {  	_ =	strace s3  }
0x97: {  	_ =	strace $0x8FFFFFFF  }
0x98: {  	s19 =	sld [smem:$0x3FDB];
	_ =	sdelay $0x1  }
0x99: {  	s4 =	simm.s32 $_scs_section_size  }
0x9a: {  	s5 =	simm.s32 $_size__tile_overlayer_lowered;
	s6 =	simm.s32 $_tile_overlayer_lowered  }
0x9b: {  	s22 =	simm.s32 $0x1BFF;
	s21 =	sshll.u32 s6, $0x1;
	s3 =	sadd.s32 s4, s19  }
0x9c: {  	s7 =	simm.s32 $0x0;
	s20 =	sshll.u32 s5, $0x1;
	s5 =	sadd.s32 s21, s3  }
0x9d: {  	[timem:s7], [sflag:s22] =	dma.local [hbm:s5], s20  }
0x9e: {  	_ =	swait.ge [sflag:s22], s20  }
0x9f: {  	s4 =	ssub.s32 $0x0, s20;
	[sflag:s22] =	ssyncset.done $0x0  }
0xa0: {  	[sflag:s22] =	ssyncadd.s32 s4;
	_ =	sdelay $0x1  }
0xa1: {  	s23 =	simm.s32 $0x1B8B  }
0xa2: {  	_ =	swait.ge [sflag:s23], $0x1  }
0xa3: {  	[sflag:s23] =	ssyncset.done $0x0  }
0xa4: {  	s25 =	simm.s32 $0x1B8E;
	s24 =	sld [smem:$0x3FFE];
	[sflag:s23] =	ssyncadd.s32 $0xFFFFFFFF  }
0xa5: {  	s26 =	simm.s32 $execute0_lowered;
	[smem:$0x3FD2] =	sst s25  }
0xa6: {  	s5 =	sshll.u32 s26, $0x1;
	_ =	strace $0x8000004C;
	[dreg:$0x1] =	wrdreg $0xFFFFFFFF  }
0xa7: {  	s28 =	simm.s32 $_size_execute0_lowered;
	s3 =	sadd.s32 s3, s5;
	[dreg:$0x0] =	wrdreg $0x0  }
0xa8: {  	s5 =	sshll.u32 s28, $0x1;
	[dreg:$0x2] =	wrdreg s3  }
0xa9: {  	[dreg:$0x3] =	wrdreg s5  }
0xaa: {  	[dreg:$0x4] =	wrdreg $0xC0  }
0xab: {  	_ =	task [dreg:s7], $0x5FFFF  }
0xac: {  	[dreg:$0x1] =	wrdreg $0xFFFFFFFF  }
0xad: {  	[dreg:$0x0] =	wrdreg $0x60  }
0xae: {  	[dreg:$0x2] =	wrdreg s2  }
0xaf: {  	[dreg:$0x3] =	wrdreg s24  }
0xb0: {  	[dreg:$0x4] =	wrdreg $0x90000  }
0xb1: {  	[dreg:$0x5] =	wrdreg $0x9  }
0xb2: {  	_ =	task.clear_ibuf [dreg:s7], $0x6FFFF;
	_ =	strace $0x9000004C  }
0xb3: {  	s29 =	simm.s32 $0x9;
	_ =	strace $0x8000004E  }
0xb4: {  	_ =	swait.ge [sflag:s29], $0x1  }
0xb5: {  	[sflag:s29] =	ssyncadd.s32 $0xFFFFFFFF  }
0xb6: {  	_ =	strace $0x9000004E  }
0xb7: {  	_ =	sfence  }
0xb8: {  	s30 =	sld [smem:$0x0];
	_ =	sdelay $0x2  }
0xb9: {  	s31 =	sshll.u32 s1, $0xD;
	s1 =	sshrl.u32 s1, $0x2  }
0xba: {  	s3 =	sand.u32 $0x4000, s31;
	s1 =	sadd.s32 s1, s30  }
0xbb: {  	s0 =	sor.u32 s3, s0;
	s1 =	sshll.u32 s1, $0x11  }
0xbc: {  	s0 =	sor.u32 s1, s0  }
0xbd: {  	s0 =	sadd.s32 $0x8F2B, s0  }
0xbe: {  	[sflag:s0] =	ssyncadd.remote.s32 $0x1  }
0xbf: {  	_ =	sfence.sel $0xFFFF  }
0xc0: {  	[dreg:$0x0] =	wrdreg $0xFFFFFFFF;
	(pc) =	sbr.abs _section_cstart, $3  }
0xc1: {  	[dreg:$0x1] =	wrdreg $0xFFFFFFFF  }
0xc2: {  	_ =	task.clear_ibuf [dreg:s7], $0x2FFFF;
	_ =	strace $0x9FFFFFFF  }
0xc3: {  	(tm) =	ssettm $0x7FFFFFFF  }
tec
execute0_lowered:
.L_overlay_start_1:
0x0: {  	(tag) =	ssettag $0x1  }
0x1: {  	s1 =	rddreg [dreg:$0x0]  }
0x2: {  	s2 =	srdreg.scid;
	s5 =	rddreg [dreg:$0x1]  }
0x3: {  	s0 =	stileid.u32;
	s3 =	rddreg [dreg:$0x2];
	s4 =	simm.s32 $0x0  }
0x4: {  	s14 =	simm.s32 $0x5000;
	s15 =	simm.s32 $0x1;
	s6 =	sand.u32 $0x1, s2  }
0x5: {  	s26 =	sshll.u32 s0, $0x1;
	s2 =	rddreg [dreg:$0x3];
	s16 =	smul.u32 $0x2800, s0  }
0x6: {  	[smem:$0x7FF] =	sst s4;
	s28 =	smul.u32 $0x50000, s0;
	s31 =	sshll.u32 s0, $0x6  }
0x7: {  	s7 =	sor.u32 s6, s26;
	_ =	strace $0x8000004D;
	s8 =	smul.u32 $0x28000, s6  }
0x8: {  	s6 =	ssub.s32 $0x2, s6;
	s7 =	smul.u32 $0x500, s7;
	s10 =	sadd.s32 s16, s5  }
0x9: {  	s29 =	sshrl.u32 s6, $0x1;
	s30 =	sshrl.u32 s28, $0x2;
	s11 =	sadd.s32 s8, s5  }
0xa: {  	s12 =	ssub.s32 s6, s29;
	s13 =	sadd.s32 s30, s3;
	s6 =	sor.u32 $0x1C02, s31  }
0xb: {  	s9 =	sadd.s32 s7, s5;
	s5 =	sadd.s32 $0x25E00, s10;
	s17 =	sadd.s32 $0x4DE00, s11  }
0xc: {  	s10 =	sshrl.u32 s13, $0x3;
	s11 =	simm.s32 $0x2;
	s13 =	simm.s32 $0x7D  }
0xd: {  	s7 =	sadd.s32 $0x1BE00, s9;
	s8 =	sadd.s32 $0x3000, s9;
	s9 =	smax.u32 s12, $0x1  }
0xe: {  	s12 =	simm.s32 $0x2800;
	s16 =	sadd.s32 s16, s17;
	s17 =	simm.s32 $0x0  }
.LBB2_1:
0xf: {  	[spmem:s10], [sflag:s6] =	dma.local [hbm:s5], $0x2800  }
0x10: {  	_ =	swait.ge [sflag:s11], $0x2800  }
0x11: {  	[sflag:s11] =	ssyncset.done $0x0  }
0x12: {  	[sflag:s11] =	ssyncadd.s32 $0xFFFFD800  }
0x13: {  	[tilespmem:s4], [sflag:$0x2] =	stream.linear.gather [hbm4b:s7+s4], $0x2800, $0x38;
	[tilespmem:$0x1D000] =	vst v63  }
0x14: {  	_ =	swait.ge [sflag:s11], $0x2800  }
0x15: {  	[sflag:s11] =	ssyncset.done $0x0  }
0x16: {  	[sflag:s11] =	ssyncadd.s32 $0xFFFFD800  }
0x17: {  	[tilespmem:s12], [sflag:$0x2] =	stream.linear.gather [hbm4b:s8+s4], $0x2800, $0x38;
	[tilespmem:$0x1D000] =	vst v63  }
0x18: {  	_ =	swait.ge [sflag:s11], $0x2800  }
0x19: {  	[sflag:s11] =	ssyncset.done $0x0  }
0x1a: {  	[sflag:s11] =	ssyncadd.s32 $0xFFFFD800  }
0x1b: {  	s18 =	simm.s32 $0x0;
	[bflag:$0x0] =	sbarrier.arrive $0xFFFF  }
0x1c: {  	[tilespmem:s14], [sflag:$0x1] =	stream.indirect.gather [hbm4b:s1+s13], $0x80, s18, s13, $0xb8;
	[tilespmem:$0x1D000] =	vst v63  }
0x1d: {  	_ =	swait.ge [sflag:s15], $0x3E80  }
0x1e: {  	[sflag:s15] =	ssyncset.done $0x0  }
0x1f: {  	s31 =	simm.s32 $0x2800;
	[sflag:s15] =	ssyncadd.s32 $0xFFFFC180  }
0x20: {  	[spmem:s3] =	stream.indirect.scatter.add.f32 [tilespmem:s14], [sflag:$0x2], $0x80, s31, s13, $0xb8;
	[tilespmem:$0x1D000] =	vst v63  }
0x21: {  	_ =	swait.ge [sflag:s11], $0x3E80  }
0x22: {  	s19 =	simm.s32 $0x400;
	s18 =	simm.s32 $0x200;
	[sflag:s11] =	ssyncset.done $0x0  }
.LBB2_2:
0x23: {  	s20 =	sshra.s32 s18, $0x2  }
0x24: {  	[sflag:s11] =	ssyncadd.s32 $0xFFFFC180;
	s18 =	smov.u32 s19;
	s21 =	sadd.s32 $0x200, s19  }
0x25: {  	[tilespmem:s14], [sflag:$0x1] =	stream.indirect.gather [hbm4b:s1+s13], $0x80, s20, s13, $0xb8;
	[tilespmem:$0x1D000] =	vst v63  }
0x26: {  	p0 =	sne.s32 s19, $0x9E00;
	_ =	swait.ge [sflag:s15], $0x3E80  }
.Ltmp0:
0x27: {  	[sflag:s15] =	ssyncset.done $0x0;
	(pc) =	sbr.rel @p0 .LBB2_2-.Ltmp0, $4  }
0x28: {  	s19 =	sadd.s32 $0x2800, s20;
	[sflag:s15] =	ssyncadd.s32 $0xFFFFC180  }
0x29: {  	[spmem:s3] =	stream.indirect.scatter.add.f32 [tilespmem:s14], [sflag:$0x2], $0x80, s19, s13, $0xb8;
	[tilespmem:$0x1D000] =	vst v63  }
0x2a: {  	_ =	swait.ge [sflag:s11], $0x3E80  }
0x2b: {  	s19 =	smov.u32 s21;
	[sflag:s11] =	ssyncset.done $0x0  }
0x2c: {  	s18 =	sshra.s32 s18, $0x2;
	[sflag:s11] =	ssyncadd.s32 $0xFFFFC180  }
0x2d: {  	[tilespmem:s14], [sflag:$0x1] =	stream.indirect.gather [hbm4b:s1+s13], $0x80, s18, s13, $0xb8;
	[tilespmem:$0x1D000] =	vst v63  }
0x2e: {  	_ =	swait.ge [sflag:s15], $0x3E80  }
0x2f: {  	[sflag:s15] =	ssyncset.done $0x0  }
0x30: {  	s18 =	sadd.s32 $0x2800, s18;
	[sflag:s15] =	ssyncadd.s32 $0xFFFFC180  }
0x31: {  	[spmem:s3] =	stream.indirect.scatter.add.f32 [tilespmem:s14], [sflag:$0x2], $0x80, s18, s13, $0xb8;
	[tilespmem:$0x1D000] =	vst v63  }
0x32: {  	_ =	swait.ge [sflag:s11], $0x3E80  }
0x33: {  	s17 =	sadd.s32 $0x1, s17;
	[sflag:s11] =	ssyncset.done $0x0  }
0x34: {  	p0 =	sne.s32 s17, s9;
	[sflag:s11] =	ssyncadd.s32 $0xFFFFC180  }
.Ltmp1:
0x35: {  	[bflag:$0x0] =	sbarrier.arrive $0xFFFF;
	(pc) =	sbr.rel @p0 .LBB2_1-.Ltmp1, $4  }
0x36: {  	[hbm:s16], [sflag:s6] =	dma.local [spmem:s10], $0x2800  }
0x37: {  	_ =	swait.ge [sflag:s11], $0x2800  }
0x38: {  	[sflag:s11] =	ssyncset.done $0x0  }
0x39: {  	[sflag:s11] =	ssyncadd.s32 $0xFFFFD800  }
0x3a: {  	_ =	sfence.sel $0x180000  }
0x3b: {  	[bflag:$0x0] =	sbarrier.arrive $0xFFFF  }
0x3c: {  	p0 =	sne.s32 s0, $0x0;
	_ =	strace $0x9000004D  }
0x3d: {  	s0 =	sadd.s32 @!p0 $0x100000, s2;
	[bflag:$0x2] =	sbarrier.arrive $0xFFFF  }
0x3e: {  	[sflag:s0] =	ssyncadd.tile.s32 @!p0 $0x1;
	_ =	shalt  }
.Lfunc_end2:
_tile_overlayer_lowered:
.L_overlay_start_2:
0x3f: {  	(tag) =	ssettag $0x2  }
0x40: {  	s0 =	rddreg [dreg:$0x0];
	s2 =	stileid.u32  }
0x41: {  	s1 =	rddreg [dreg:$0x1];
	p0 =	sne.s32 s2, $0x0  }
0x42: {  	s3 =	rddreg [dreg:$0x2];
	[bflag:$0x3] =	sbarrier.arrive $0xFFFF;
	s2 =	simm.s32 @!p0 $0x1C02  }
0x43: {  	[timem:s3], [sflag:s2] =	dma.local @!p0 [hbm:s0], s1  }
0x44: {  	s0 =	simm.s32 @!p0 $0x2  }
0x45: {  	_ =	swait.ge @!p0 [sflag:s0], s1  }
0x46: {  	s1 =	ssub.s32 @!p0 $0x0, s1;
	[sflag:s0] =	ssyncset.done @!p0 $0x0  }
0x47: {  	[sflag:s0] =	ssyncadd.s32 @!p0 s1  }
0x48: {  	[bflag:$0x3] =	sbarrier.arrive $0xFFFF  }
0x49: {  	_ =	shalt  }

// kernel: sc_edge_cnt.3.cloned.1.call-start
scs
__scs_entry_jumppad:
0x0: {  	(pc) =	sbr.rel $0x88, $3  }
0x1: {  	(tag) =	ssettag $0x0;
	lr =	simm.s32 $0x1  }
0x2: {  	[smem:$0x3F91] =	sst lr;
	_ =	strace $0xD0000000  }
0x3: {  	_ = 	snop  }
0x4: {  	_ = 	snop  }
0x5: {  	_ = 	snop  }
0x6: {  	_ = 	snop  }
0x7: {  	_ = 	snop  }
__scs_overlays_trampoline_lowered:
0x8: {  	[smem:$0x3FA0] =	sst s0  }
0x9: {  	[smem:$0x3FA1] =	sst s1  }
0xa: {  	[smem:$0x3FA2] =	sst s2  }
0xb: {  	[smem:$0x3FA3] =	sst s3  }
0xc: {  	[smem:$0x3FA4] =	sst s4  }
0xd: {  	[smem:$0x3FA5] =	sst s5  }
0xe: {  	[smem:$0x3FA6] =	sst s6  }
0xf: {  	[smem:$0x3FA7] =	sst s7  }
0x10: {  	[smem:$0x3FA8] =	sst s8  }
0x11: {  	[smem:$0x3FA9] =	sst s9;
	s0 =	simm.s32 @!p0 $0x0  }
0x12: {  	s1 =	sld [smem:$0x3F8F];
	s0 =	simm.s32 @p0 $0x1  }
0x13: {  	[smem:$0x3FAA] =	sst s0;
	s0 =	simm.s32 @!p1 $0x0  }
0x14: {  	s2 =	sld [smem:$0x3F8E];
	s0 =	simm.s32 @p1 $0x1  }
0x15: {  	[smem:$0x3FAB] =	sst s0;
	s0 =	simm.s32 @!p2 $0x0  }
0x16: {  	s3 =	sld [smem:$0x3FDB];
	s0 =	simm.s32 @p2 $0x1  }
0x17: {  	s4 =	simm.s32 $0x1BF5;
	[smem:$0x3FAD] =	sst s0  }
0x18: {  	s0 =	sld [smem:$0x3F90];
	_ =	swait.ge [sflag:s4], $0x0  }
0x19: {  	s7 =	sld [smem:$0x3F91]  }
0x1a: {  	s8 =	sadd.s32 $0xFFFFE003, lr  }
0x1b: {  	s9 =	sadd.s32 $0xFFFFFEF7, lr;
	s5 =	simm.s32 $0xFFFFFFFF;
	p2 =	slt.u32 s8, $0xFFFFF086  }
0x1c: {  	p1 =	slt.u32 s9, $0xF7A;
	s5 =	simm.s32 @!p2 $0x0  }
0x1d: {  	s5 =	simm.s32 @p1 $0x1;
	p0 =	seq.s32 s7, s2  }
0x1e: {  	s7 =	smul.u32 @!p0 $0xF7A, s2;
	p2 =	seq.s32 @!p0 s5, $0x0  }
0x1f: {  	s9 =	smul.u32 $0xF7A, s1;
	s8 =	simm.s32 @!p0 $0x1BF5;
	p2 =	por !p2, p0  }
0x20: {  	[sflag:s8] =	ssyncset.s32 @!p0 $0xFFFFF086;
	s6 =	sadd.s32 @!p0 s3, s7;
	s7 =	simm.s32 @!p0 $0x108  }
0x21: {  	s3 =	sadd.s32 s3, s9;
	s6 =	sadd.s32 @!p0 $0x88, s6;
	s7 =	simm.s32 @p2 $0x1082  }
0x22: {  	[simem:s7], [sflag:s8] =	dma.local @!p0 [hbm:s6], $0xF7A  }
0x23: {  	s9 =	sor.u32 $0xD0000000, s2;
	s6 =	simm.s32 $0x108;
	_ =	swait.ge @!p0 [sflag:s8], $0x0  }
0x24: {  	s3 =	sadd.s32 $0x88, s3;
	s6 =	simm.s32 @!p1 $0x1082;
	[sflag:s4] =	ssyncset.s32 $0xFFFFF086  }
0x25: {  	[simem:s6], [sflag:s4] =	dma.local [hbm:s3], $0xF7A  }
0x26: {  	[smem:$0x3F91] =	sst s1;
	(tag) =	ssettag s2;
	_ =	strace s9  }
0x27: {  	s1 =	sld [smem:$0x3FA1]  }
0x28: {  	s2 =	sld [smem:$0x3FA2]  }
0x29: {  	s4 =	sld [smem:$0x3FA4]  }
0x2a: {  	p0 =	seq.s32 s5, $0x0;
	s5 =	sld [smem:$0x3FA5]  }
0x2b: {  	s6 =	sld [smem:$0x3FA6]  }
0x2c: {  	s7 =	sld [smem:$0x3FA7]  }
0x2d: {  	s3 =	simm.s32 $0x108;
	s8 =	sld [smem:$0x3FA8]  }
0x2e: {  	s3 =	simm.s32 @!p0 $0x1082;
	s9 =	sld [smem:$0x3FA9]  }
0x2f: {  	lr =	sadd.s32 s0, s3;
	s0 =	sld [smem:$0x3FA0]  }
0x30: {  	s3 =	sld [smem:$0x3FA3]  }
0x31: {  	[smem:$0x3FAC] =	sst s10  }
0x32: {  	s10 =	sld [smem:$0x3FAA];
	_ =	sdelay $0x3  }
0x33: {  	p0 =	seq.s32 s10, $0x1;
	s10 =	sld [smem:$0x3FAC];
	_ =	sdelay $0x3  }
0x34: {  	[smem:$0x3FAC] =	sst s10  }
0x35: {  	s10 =	sld [smem:$0x3FAB];
	_ =	sdelay $0x3  }
0x36: {  	p1 =	seq.s32 s10, $0x1;
	s10 =	sld [smem:$0x3FAC];
	_ =	sdelay $0x3  }
0x37: {  	[smem:$0x3FAC] =	sst s10  }
0x38: {  	s10 =	sld [smem:$0x3FAD]  }
0x39: {  	_ = 	snop;
	(pc) =	sbr.ind lr, $3  }
0x3a: {  	_ = 	snop  }
0x3b: {  	_ = 	snop  }
0x3c: {  	p2 =	seq.s32 s10, $0x1;
	s10 =	sld [smem:$0x3FAC]  }
0x3d: {  	_ =	shalt  }
0x3e: {  	_ =	shalt  }
0x3f: {  	_ =	shalt  }
0x40: {  	_ =	shalt  }
0x41: {  	_ =	shalt  }
0x42: {  	_ =	shalt  }
0x43: {  	_ =	shalt  }
0x44: {  	_ =	shalt  }
0x45: {  	_ =	shalt  }
0x46: {  	_ =	shalt  }
0x47: {  	_ =	shalt  }
0x48: {  	_ =	shalt  }
0x49: {  	_ =	shalt  }
0x4a: {  	_ =	shalt  }
0x4b: {  	_ =	shalt  }
0x4c: {  	_ =	shalt  }
0x4d: {  	_ =	shalt  }
0x4e: {  	_ =	shalt  }
0x4f: {  	_ =	shalt  }
0x50: {  	_ =	shalt  }
0x51: {  	_ =	shalt  }
0x52: {  	_ =	shalt  }
0x53: {  	_ =	shalt  }
0x54: {  	_ =	shalt  }
0x55: {  	_ =	shalt  }
0x56: {  	_ =	shalt  }
0x57: {  	_ =	shalt  }
0x58: {  	_ =	shalt  }
0x59: {  	_ =	shalt  }
0x5a: {  	_ =	shalt  }
0x5b: {  	_ =	shalt  }
0x5c: {  	_ =	shalt  }
0x5d: {  	_ =	shalt  }
0x5e: {  	_ =	shalt  }
0x5f: {  	_ =	shalt  }
0x60: {  	_ =	shalt  }
0x61: {  	_ =	shalt  }
0x62: {  	_ =	shalt  }
0x63: {  	_ =	shalt  }
0x64: {  	_ =	shalt  }
0x65: {  	_ =	shalt  }
0x66: {  	_ =	shalt  }
0x67: {  	_ =	shalt  }
0x68: {  	_ =	shalt  }
0x69: {  	_ =	shalt  }
0x6a: {  	_ =	shalt  }
0x6b: {  	_ =	shalt  }
0x6c: {  	_ =	shalt  }
0x6d: {  	_ =	shalt  }
0x6e: {  	_ =	shalt  }
0x6f: {  	_ =	shalt  }
0x70: {  	_ =	shalt  }
0x71: {  	_ =	shalt  }
0x72: {  	_ =	shalt  }
0x73: {  	_ =	shalt  }
0x74: {  	_ =	shalt  }
0x75: {  	_ =	shalt  }
0x76: {  	_ =	shalt  }
0x77: {  	_ =	shalt  }
0x78: {  	_ =	shalt  }
0x79: {  	_ =	shalt  }
0x7a: {  	_ =	shalt  }
0x7b: {  	_ =	shalt  }
0x7c: {  	_ =	shalt  }
0x7d: {  	_ =	shalt  }
0x7e: {  	_ =	shalt  }
0x7f: {  	_ =	shalt  }
0x80: {  	_ =	shalt  }
0x81: {  	_ =	shalt  }
0x82: {  	_ =	shalt  }
0x83: {  	_ =	shalt  }
0x84: {  	_ =	shalt  }
0x85: {  	_ =	shalt  }
0x86: {  	_ =	shalt  }
0x87: {  	_ =	shalt  }
.Lfunc_end0:
.L_simem_size_0:
called_computation_lowered:
.L_overlay_start_0:
0x88: {  	s2 =	sld [smem:$0x3FD9]  }
0x89: {  	s3 =	sld [smem:$0x3FFE];
	_ =	sdelay $0x1  }
0x8a: {  	s1 =	srdreg.scid  }
0x8b: {  	s0 =	sand.u32 $0x1, s1  }
0x8c: {  	s16 =	sshll.u32 s0, $0xA;
	s2 =	sadd.s32 s3, s2  }
0x8d: {  	s2 =	sadd.s32 s2, s16  }
0x8e: {  	[smem:$0x3FB8] =	sst s2  }
0x8f: {  	_ = 	snop  }
0x90: {  	(tm) =	ssettm $0x1  }
0x91: {  	s17 =	sld [smem:$0x3FFB];
	_ =	sdelay $0x3  }
0x92: {  	_ =	strace s17  }
0x93: {  	s2 =	sld [smem:$0x3FFC];
	_ =	sdelay $0x3  }
0x94: {  	_ =	strace s2  }
0x95: {  	s2 =	sld [smem:$0x3FFD];
	_ =	sdelay $0x3  }
0x96: {  	_ =	strace s2  }
0x97: {  	_ =	strace $0x8FFFFFFF  }
0x98: {  	s18 =	sld [smem:$0x3FDB];
	_ =	sdelay $0x1  }
0x99: {  	s19 =	simm.s32 $_scs_section_size  }
0x9a: {  	s4 =	simm.s32 $_size__tile_overlayer_lowered;
	s5 =	simm.s32 $_tile_overlayer_lowered  }
0x9b: {  	s22 =	simm.s32 $0x1BFF;
	s21 =	sshll.u32 s5, $0x1;
	s2 =	sadd.s32 s19, s18  }
0x9c: {  	s6 =	simm.s32 $0x0;
	s20 =	sshll.u32 s4, $0x1;
	s4 =	sadd.s32 s21, s2  }
0x9d: {  	[timem:s6], [sflag:s22] =	dma.local [hbm:s4], s20  }
0x9e: {  	_ =	swait.ge [sflag:s22], s20  }
0x9f: {  	s3 =	ssub.s32 $0x0, s20;
	[sflag:s22] =	ssyncset.done $0x0  }
0xa0: {  	[sflag:s22] =	ssyncadd.s32 s3;
	_ =	sdelay $0x1  }
0xa1: {  	s23 =	simm.s32 $0x1B8B  }
0xa2: {  	_ =	swait.ge [sflag:s23], $0x1  }
0xa3: {  	[sflag:s23] =	ssyncset.done $0x0  }
0xa4: {  	s25 =	simm.s32 $0x1B8E;
	s24 =	sld [smem:$0x3FFE];
	[sflag:s23] =	ssyncadd.s32 $0xFFFFFFFF  }
0xa5: {  	s26 =	simm.s32 $execute0_lowered;
	[smem:$0x3FD2] =	sst s25  }
0xa6: {  	s4 =	sshll.u32 s26, $0x1;
	_ =	strace $0x80000046;
	[dreg:$0x1] =	wrdreg $0xFFFFFFFF  }
0xa7: {  	s28 =	simm.s32 $_size_execute0_lowered;
	s2 =	sadd.s32 s2, s4;
	[dreg:$0x0] =	wrdreg $0x0  }
0xa8: {  	s4 =	sshll.u32 s28, $0x1;
	[dreg:$0x2] =	wrdreg s2  }
0xa9: {  	[dreg:$0x3] =	wrdreg s4  }
0xaa: {  	[dreg:$0x4] =	wrdreg $0xC0  }
0xab: {  	_ =	task [dreg:s6], $0x5FFFF  }
0xac: {  	[dreg:$0x1] =	wrdreg $0xFFFFFFFF  }
0xad: {  	[dreg:$0x0] =	wrdreg $0x60  }
0xae: {  	[dreg:$0x2] =	wrdreg s24  }
0xaf: {  	[dreg:$0x3] =	wrdreg $0x28800  }
0xb0: {  	[dreg:$0x4] =	wrdreg $0x9  }
0xb1: {  	_ =	task.clear_ibuf [dreg:s6], $0x5FFFF;
	_ =	strace $0x90000046  }
0xb2: {  	s29 =	simm.s32 $0x9;
	_ =	strace $0x80000048  }
0xb3: {  	_ =	swait.ge [sflag:s29], $0x1  }
0xb4: {  	[sflag:s29] =	ssyncadd.s32 $0xFFFFFFFF  }
0xb5: {  	_ =	strace $0x90000048  }
0xb6: {  	_ =	sfence  }
0xb7: {  	s30 =	sld [smem:$0x0];
	_ =	sdelay $0x2  }
0xb8: {  	s31 =	sshll.u32 s1, $0xD;
	s1 =	sshrl.u32 s1, $0x2  }
0xb9: {  	s3 =	sand.u32 $0x4000, s31;
	s1 =	sadd.s32 s1, s30  }
0xba: {  	s0 =	sor.u32 s3, s0;
	s1 =	sshll.u32 s1, $0x11  }
0xbb: {  	s0 =	sor.u32 s1, s0  }
0xbc: {  	s0 =	sadd.s32 $0x8F2B, s0  }
0xbd: {  	[sflag:s0] =	ssyncadd.remote.s32 $0x1  }
0xbe: {  	_ =	sfence.sel $0xFFFF  }
0xbf: {  	[dreg:$0x0] =	wrdreg $0xFFFFFFFF;
	(pc) =	sbr.abs _section_cstart, $3  }
0xc0: {  	[dreg:$0x1] =	wrdreg $0xFFFFFFFF  }
0xc1: {  	_ =	task.clear_ibuf [dreg:s6], $0x2FFFF;
	_ =	strace $0x9FFFFFFF  }
0xc2: {  	(tm) =	ssettm $0x7FFFFFFF  }
0xc3: {  	_ =	shalt  }
tec
execute0_lowered:
.L_overlay_start_1:
0x0: {  	(tag) =	ssettag $0x1  }
0x1: {  	s1 =	srdreg.scid;
	s5 =	rddreg [dreg:$0x0]  }
0x2: {  	s0 =	stileid.u32;
	s2 =	rddreg [dreg:$0x1];
	s3 =	simm.s32 $0x0  }
0x3: {  	s15 =	simm.s32 $0x10;
	s16 =	simm.s32 $0x0;
	s6 =	sand.u32 $0x1, s1  }
0x4: {  	s29 =	sshll.u32 s0, $0x1;
	s1 =	rddreg [dreg:$0x2];
	s7 =	smul.u32 $0xC80, s0  }
0x5: {  	[smem:$0x7FF] =	sst s3;
	s30 =	sshll.u32 s0, $0x6;
	s14 =	smul.u32 $0x320, s0  }
0x6: {  	s4 =	sor.u32 s6, s29;
	_ =	strace $0x80000047;
	s10 =	ssub.s32 $0x2, s6  }
0x7: {  	s6 =	sshll.u32 s6, $0x4;
	s4 =	smul.u32 $0x500, s4;
	s9 =	sshrl.u32 s7, $0x3  }
0x8: {  	s11 =	sshrl.u32 s10, $0x1;
	s12 =	sadd.s32 s6, s5;
	s31 =	sadd.s32 s7, s2  }
0x9: {  	s6 =	sor.u32 $0x1C01, s30;
	s9 =	sadd.s32 s9, s5;
	s10 =	ssub.s32 s10, s11  }
0xa: {  	s13 =	sadd.s32 $0x18C00, s12;
	s11 =	simm.s32 $0x2800;
	s12 =	simm.s32 $0x7D  }
0xb: {  	s8 =	sadd.s32 s4, s5;
	s4 =	sadd.s32 $0x17000, s5;
	s5 =	sadd.s32 $0x17200, s9  }
0xc: {  	s9 =	sshrl.u32 s31, $0x3;
	s13 =	sadd.s32 s14, s13;
	s14 =	simm.s32 $0x20  }
0xd: {  	s7 =	sadd.s32 $0xD000, s8;
	s8 =	smax.u32 s10, $0x1;
	s10 =	simm.s32 $0x1  }
.LBB2_1:
0xe: {  	[spmem:s9], [sflag:s6] =	dma.local [hbm:s5], $0x190  }
0xf: {  	_ =	swait.ge [sflag:s10], $0x190  }
0x10: {  	[sflag:s10] =	ssyncset.done $0x0  }
0x11: {  	[sflag:s10] =	ssyncadd.s32 $0xFFFFFE70  }
0x12: {  	[tilespmem:s3], [sflag:$0x1] =	stream.linear.gather [hbm4b:s7+s3], $0x2800, $0x38;
	[tilespmem:$0x3500] =	vst v63  }
0x13: {  	_ =	swait.ge [sflag:s10], $0x2800  }
0x14: {  	[sflag:s10] =	ssyncset.done $0x0  }
0x15: {  	[sflag:s10] =	ssyncadd.s32 $0xFFFFD800  }
0x16: {  	[tilespmem:s11], [sflag:$0x1] =	stream.linear.gather [hbm4b:s4+s3], $0x80, $0x38;
	[tilespmem:$0x3500] =	vst v63  }
0x17: {  	_ =	swait.ge [sflag:s10], $0x80  }
0x18: {  	[sflag:s10] =	ssyncset.done $0x0  }
0x19: {  	[sflag:s10] =	ssyncadd.s32 $0xFFFFFF80  }
0x1a: {  	s17 =	simm.s32 $0x0;
	[bflag:$0x0] =	sbarrier.arrive $0xFFFF  }
0x1b: {  	[spmem:s2] =	stream.indirect.scatter.add.f32 [tilespmem:s11], [sflag:$0x1], $0x1, s17, s12, $0xb8;
	[tilespmem:$0x3500] =	vst v63  }
0x1c: {  	_ =	swait.ge [sflag:s10], $0x7D  }
0x1d: {  	s17 =	simm.s32 $0x200;
	[sflag:s10] =	ssyncset.done $0x0  }
.LBB2_2:
0x1e: {  	s18 =	sshra.s32 s17, $0x2;
	[sflag:s10] =	ssyncadd.s32 $0xFFFFFF83;
	p0 =	sne.s32 s17, $0x9E00  }
0x1f: {  	[spmem:s2] =	stream.indirect.scatter.add.f32 [tilespmem:s11], [sflag:$0x1], $0x1, s18, s12, $0xb8;
	[tilespmem:$0x3500] =	vst v63  }
.Ltmp0:
0x20: {  	_ = 	snop;
	(pc) =	sbr.rel @p0 .LBB2_2-.Ltmp0, $4  }
0x21: {  	_ = 	snop  }
0x22: {  	s17 =	sadd.s32 $0x200, s17  }
0x23: {  	_ =	swait.ge [sflag:s10], $0x7D  }
0x24: {  	[sflag:s10] =	ssyncset.done $0x0  }
0x25: {  	s16 =	sadd.s32 $0x1, s16  }
0x26: {  	[sflag:s10] =	ssyncadd.s32 $0xFFFFFF83;
	p0 =	sne.s32 s16, s8  }
.Ltmp1:
0x27: {  	[bflag:$0x0] =	sbarrier.arrive $0xFFFF;
	(pc) =	sbr.rel @p0 .LBB2_1-.Ltmp1, $4  }
0x28: {  	[hbm:s13@s14], [sflag:s6] =	dma.strided [spmem:s9@s15], $0x190, s10, $0x10   }
0x29: {  	_ =	swait.ge [sflag:s10], $0x190  }
0x2a: {  	[sflag:s10] =	ssyncset.done $0x0  }
0x2b: {  	[sflag:s10] =	ssyncadd.s32 $0xFFFFFE70  }
0x2c: {  	_ =	sfence.sel $0x180000  }
0x2d: {  	[bflag:$0x0] =	sbarrier.arrive $0xFFFF  }
0x2e: {  	p0 =	sne.s32 s0, $0x0;
	_ =	strace $0x90000047  }
0x2f: {  	s0 =	sadd.s32 @!p0 $0x100000, s1;
	[bflag:$0x2] =	sbarrier.arrive $0xFFFF  }
0x30: {  	[sflag:s0] =	ssyncadd.tile.s32 @!p0 $0x1;
	_ =	shalt  }
.Lfunc_end2:
_tile_overlayer_lowered:
.L_overlay_start_2:
0x31: {  	(tag) =	ssettag $0x2  }
0x32: {  	s0 =	rddreg [dreg:$0x0];
	s2 =	stileid.u32  }
0x33: {  	s1 =	rddreg [dreg:$0x1];
	p0 =	sne.s32 s2, $0x0  }
0x34: {  	s3 =	rddreg [dreg:$0x2];
	[bflag:$0x3] =	sbarrier.arrive $0xFFFF;
	s2 =	simm.s32 @!p0 $0x1C01  }
0x35: {  	[timem:s3], [sflag:s2] =	dma.local @!p0 [hbm:s0], s1  }
0x36: {  	s0 =	simm.s32 @!p0 $0x1  }
0x37: {  	_ =	swait.ge @!p0 [sflag:s0], s1  }
0x38: {  	s1 =	ssub.s32 @!p0 $0x0, s1;
	[sflag:s0] =	ssyncset.done @!p0 $0x0  }
0x39: {  	[sflag:s0] =	ssyncadd.s32 @!p0 s1  }
0x3a: {  	[bflag:$0x3] =	sbarrier.arrive $0xFFFF  }
0x3b: {  	_ =	shalt  }

</sc_bundles>
